<compile_context>
chip_gen: v7x
topology: tpu7x:2x2x1
jax: 0.10.2.dev20260603
libtpu: 0.0.44.dev20260713+nightly
codegen_flags: <defaults>
</compile_context>

<pallas_src>
import functools

import jax
import jax.numpy as jnp
from jax import lax
from jax.experimental import pallas as pl
from jax.experimental.pallas import tpu as pltpu
from jax.experimental.pallas import tpu_sc as plsc

_B = 16384
_F = 2048
_L = 16
_NC, _NS = 2, 16
_NW = _NC * _NS
_RPW = _B // _NW
_R = 8
_NBUF = 3
_CH = _RPW // _R
_G = (_CH - 1) // _NBUF


def _sc_permute_body(x_hbm, perm_hbm, out_hbm, perm_v, in_bufs, out_bufs,
                     in_sems, out_sems):
    wid = lax.axis_index("s") * _NC + lax.axis_index("c")
    row0 = wid * _RPW

    def in_desc(c, b):
        return pltpu.make_async_copy(
            x_hbm.at[pl.ds(row0 + c * _R, _R), :], in_bufs[b], in_sems[b])

    def out_desc(c, b):
        return pltpu.make_async_copy(
            out_bufs[b], out_hbm.at[pl.ds(row0 + c * _R, _R), :], out_sems[b])

    def permute_chunk(b):
        @plsc.parallel_loop(0, _F // _L, unroll=4)
        def _col(j):
            idx = perm_v[pl.ds(j * _L, _L)]
            vals = [
                plsc.load_gather(
                    in_bufs[b], [jnp.full((_L,), r, jnp.int32), idx])
                for r in range(_R)
            ]
            for r in range(_R):
                out_bufs[b][r, pl.ds(j * _L, _L)] = vals[r]

    for b in range(_NBUF):
        in_desc(b, b).start()
    pltpu.sync_copy(perm_hbm, perm_v)

    def group(g, _):
        for b in range(_NBUF):
            c = g * _NBUF + b
            in_desc(c, b).wait()

            @pl.when(g > 0)
            def _wait_prev_out():
                out_desc(c - _NBUF, b).wait()

            permute_chunk(b)
            out_desc(c, b).start()

            @pl.when(c + _NBUF < _CH)
            def _start_next_in():
                in_desc(c + _NBUF, b).start()
        return 0

    lax.fori_loop(0, _G, group, 0)

    last = _CH - 1
    in_desc(last, 0).wait()
    out_desc(last - _NBUF, 0).wait()
    permute_chunk(0)
    out_desc(last, 0).start()
    out_desc(last - 2, 1).wait()
    out_desc(last - 1, 2).wait()
    out_desc(last, 0).wait()


_sc_permute = functools.partial(
    pl.kernel,
    out_type=jax.ShapeDtypeStruct((_B, _F), jnp.float32),
    mesh=plsc.VectorSubcoreMesh(core_axis_name="c", subcore_axis_name="s",
                                num_cores=_NC, num_subcores=_NS),
    scratch_types=[
        pltpu.VMEM((_F,), jnp.int32),
        [pltpu.VMEM((_R, _F), jnp.float32) for _ in range(_NBUF)],
        [pltpu.VMEM((_R, _F), jnp.float32) for _ in range(_NBUF)],
        [pltpu.SemaphoreType.DMA for _ in range(_NBUF)],
        [pltpu.SemaphoreType.DMA for _ in range(_NBUF)],
    ],
    compiler_params=pltpu.CompilerParams(needs_layout_passes=False),
)(_sc_permute_body)


def kernel(x, perm):
    return _sc_permute(x, perm)

# --- scband reference (transcript-rebuilt; emitter-appended) ---
"""Pipeline reference for scband-permute-67637144977556 (READ-ONLY COPY).

The authoritative reference and input builder live on the scoring server;
editing this copy changes nothing except your own understanding.
"""

import jax, jax.numpy as jnp
import numpy as np

NUM_FEATURES = 2048
BATCH = 16384


def setup_inputs(seed: int = 0) -> dict:
    key = jax.random.key(seed)
    x = jax.random.normal(key, (BATCH, NUM_FEATURES), dtype=jnp.float32)
    # perm buffer: fixed random permutation of [0, num_features), matching torch.randperm
    rng = np.random.default_rng(0)
    perm = jnp.asarray(rng.permutation(NUM_FEATURES), dtype=jnp.int32)
    return {"x": x, "perm": perm}


def reference(x, perm):
    # forward with reverse=False: return x[:, perm] (module returns the tensor alone in this branch)
    return jnp.take(x, perm, axis=1)

if __name__ == "__main__":
    import jax
    _d = setup_inputs()
    print(jax.jit(kernel)(*tuple(_d.values())))

</pallas_src>

<mosaic_0001>
#map = affine_map<(d0, d1) -> (0, 0)>
#map1 = affine_map<(d0, d1) -> (0)>
module attributes {stable_mosaic.version = 14 : i64} {
  func.func @_sc_permute_body(%arg0: i32, %arg1: i32, %arg2: memref<16384x2048xf32, #tpu.memory_space<hbm>>, %arg3: memref<2048xi32, #tpu.memory_space<hbm>>, %arg4: memref<16384x2048xf32, #tpu.memory_space<hbm>>, %arg5: memref<2048xi32, #tpu.memory_space<vmem>>, %arg6: memref<8x2048xf32, #tpu.memory_space<vmem>>, %arg7: memref<8x2048xf32, #tpu.memory_space<vmem>>, %arg8: memref<8x2048xf32, #tpu.memory_space<vmem>>, %arg9: memref<8x2048xf32, #tpu.memory_space<vmem>>, %arg10: memref<8x2048xf32, #tpu.memory_space<vmem>>, %arg11: memref<8x2048xf32, #tpu.memory_space<vmem>>, %arg12: memref<!tpu.dma_semaphore, #tpu.memory_space<semaphore_mem>>, %arg13: memref<!tpu.dma_semaphore, #tpu.memory_space<semaphore_mem>>, %arg14: memref<!tpu.dma_semaphore, #tpu.memory_space<semaphore_mem>>, %arg15: memref<!tpu.dma_semaphore, #tpu.memory_space<semaphore_mem>>, %arg16: memref<!tpu.dma_semaphore, #tpu.memory_space<semaphore_mem>>, %arg17: memref<!tpu.dma_semaphore, #tpu.memory_space<semaphore_mem>>) attributes {dimension_semantics = [#tpu.dimension_semantics<core_parallel>, #tpu.dimension_semantics<subcore_parallel>], iteration_bounds = array<i64: 2, 16>, scalar_prefetch = 0 : i64, scratch_operands = 13 : i64, tpu.core_type = #tpu.core_type<sc_vector_subcore>, window_params = [{transform_indices = #map}, {transform_indices = #map1}, {transform_indices = #map}]} {
    %mul3A = arith.constant 2 : i32
    %mul3A_0 = arith.muli %arg1, %mul3A : i32
    %add3A = arith.addi %mul3A_0, %arg0 : i32
    %mul3A_1 = arith.constant 512 : i32
    %mul3A_2 = arith.muli %add3A, %mul3A_1 : i32
    %add3A_3 = arith.constant 0 : i32
    %add3A_4 = arith.addi %mul3A_2, %add3A_3 : i32
    %dma_start3A = arith.constant 0 : i32
    %dma_start3A_5 = tpu.memref_slice %arg2[%add3A_4, %dma_start3A] : memref<16384x2048xf32, #tpu.memory_space<hbm>> -> memref<8x2048xf32, #tpu.memory_space<hbm>>
    %dma_start3A_6 = arith.constant 0 : i32
    %dma_start3A_7 = tpu.memref_slice %arg2[%add3A_4, %dma_start3A_6] : memref<16384x2048xf32, #tpu.memory_space<hbm>> -> memref<8x2048xf32, #tpu.memory_space<hbm>>
    tpu.enqueue_dma source(%dma_start3A_7 : memref<8x2048xf32, #tpu.memory_space<hbm>>) target(%arg6 : memref<8x2048xf32, #tpu.memory_space<vmem>>) target_semaphore(%arg12 : memref<!tpu.dma_semaphore, #tpu.memory_space<semaphore_mem>>)
    %add3A_8 = arith.constant 8 : i32
    %add3A_9 = arith.addi %mul3A_2, %add3A_8 : i32
    %dma_start3A_10 = arith.constant 0 : i32
    %dma_start3A_11 = tpu.memref_slice %arg2[%add3A_9, %dma_start3A_10] : memref<16384x2048xf32, #tpu.memory_space<hbm>> -> memref<8x2048xf32, #tpu.memory_space<hbm>>
    %dma_start3A_12 = arith.constant 0 : i32
    %dma_start3A_13 = tpu.memref_slice %arg2[%add3A_9, %dma_start3A_12] : memref<16384x2048xf32, #tpu.memory_space<hbm>> -> memref<8x2048xf32, #tpu.memory_space<hbm>>
    tpu.enqueue_dma source(%dma_start3A_13 : memref<8x2048xf32, #tpu.memory_space<hbm>>) target(%arg7 : memref<8x2048xf32, #tpu.memory_space<vmem>>) target_semaphore(%arg13 : memref<!tpu.dma_semaphore, #tpu.memory_space<semaphore_mem>>)
    %add3A_14 = arith.constant 16 : i32
    %add3A_15 = arith.addi %mul3A_2, %add3A_14 : i32
    %dma_start3A_16 = arith.constant 0 : i32
    %dma_start3A_17 = tpu.memref_slice %arg2[%add3A_15, %dma_start3A_16] : memref<16384x2048xf32, #tpu.memory_space<hbm>> -> memref<8x2048xf32, #tpu.memory_space<hbm>>
    %dma_start3A_18 = arith.constant 0 : i32
    %dma_start3A_19 = tpu.memref_slice %arg2[%add3A_15, %dma_start3A_18] : memref<16384x2048xf32, #tpu.memory_space<hbm>> -> memref<8x2048xf32, #tpu.memory_space<hbm>>
    tpu.enqueue_dma source(%dma_start3A_19 : memref<8x2048xf32, #tpu.memory_space<hbm>>) target(%arg8 : memref<8x2048xf32, #tpu.memory_space<vmem>>) target_semaphore(%arg14 : memref<!tpu.dma_semaphore, #tpu.memory_space<semaphore_mem>>)
    "tpu.region"() ({
      %run_scoped3A = tpu.sem_alloc : memref<!tpu.dma_semaphore, #tpu.memory_space<semaphore_mem>>
      tpu.enqueue_dma source(%arg3 : memref<2048xi32, #tpu.memory_space<hbm>>) target(%arg5 : memref<2048xi32, #tpu.memory_space<vmem>>) target_semaphore(%run_scoped3A : memref<!tpu.dma_semaphore, #tpu.memory_space<semaphore_mem>>)
      tpu.wait_dma2 semaphore(%run_scoped3A : memref<!tpu.dma_semaphore, #tpu.memory_space<semaphore_mem>>) src(%arg3 : memref<2048xi32, #tpu.memory_space<hbm>>) dst(%arg5 : memref<2048xi32, #tpu.memory_space<vmem>>)
      tpu.yield
    }) : () -> ()
    %scan3A = arith.constant 0 : i32
    %scan3A_20 = arith.constant 0 : i32
    %scan3A_21 = arith.constant 21 : i32
    %scan3A_22 = arith.addi %scan3A_20, %scan3A_21 : i32
    %scan3A_23 = arith.constant 1 : i32
    %scan3A_24 = scf.for %scan3A_63 = %scan3A_20 to %scan3A_22 step %scan3A_23 iter_args(%scan3A_64 = %scan3A) -> (i32)  : i32 {
      %mul3A_65 = arith.constant 3 : i32
      %mul3A_66 = arith.muli %scan3A_63, %mul3A_65 : i32
      %add3A_67 = arith.constant 0 : i32
      %add3A_68 = arith.addi %mul3A_66, %add3A_67 : i32
      %mul3A_69 = arith.constant 8 : i32
      %mul3A_70 = arith.muli %add3A_68, %mul3A_69 : i32
      %add3A_71 = arith.addi %mul3A_2, %mul3A_70 : i32
      %dma_wait3A_72 = arith.constant 0 : i32
      %dma_wait3A_73 = tpu.memref_slice %arg2[%add3A_71, %dma_wait3A_72] : memref<16384x2048xf32, #tpu.memory_space<hbm>> -> memref<8x2048xf32, #tpu.memory_space<hbm>>
      %dma_wait3A_74 = arith.constant 0 : i32
      %dma_wait3A_75 = tpu.memref_slice %arg2[%add3A_71, %dma_wait3A_74] : memref<16384x2048xf32, #tpu.memory_space<hbm>> -> memref<8x2048xf32, #tpu.memory_space<hbm>>
      tpu.wait_dma2 semaphore(%arg12 : memref<!tpu.dma_semaphore, #tpu.memory_space<semaphore_mem>>) src(%dma_wait3A_75 : memref<8x2048xf32, #tpu.memory_space<hbm>>) dst(%arg6 : memref<8x2048xf32, #tpu.memory_space<vmem>>)
      %gt3A = arith.constant 0 : i32
      %gt3A_76 = arith.cmpi sgt, %scan3A_63, %gt3A : i32
      %convert_element_type3A = arith.extui %gt3A_76 : i1 to i32
      %cond3A = arith.constant 0 : i32
      %cond3A_77 = arith.cmpi ne, %convert_element_type3A, %cond3A : i32
      scf.if %cond3A_77 {
        %sub3A = arith.constant 3 : i32
        %sub3A_161 = arith.subi %add3A_68, %sub3A : i32
        %mul3A_162 = arith.constant 8 : i32
        %mul3A_163 = arith.muli %sub3A_161, %mul3A_162 : i32
        %add3A_164 = arith.addi %mul3A_2, %mul3A_163 : i32
        %dma_wait3A_165 = arith.constant 0 : i32
        %dma_wait3A_166 = tpu.memref_slice %arg4[%add3A_164, %dma_wait3A_165] : memref<16384x2048xf32, #tpu.memory_space<hbm>> -> memref<8x2048xf32, #tpu.memory_space<hbm>>
        %dma_wait3A_167 = arith.constant 0 : i32
        %dma_wait3A_168 = tpu.memref_slice %arg4[%add3A_164, %dma_wait3A_167] : memref<16384x2048xf32, #tpu.memory_space<hbm>> -> memref<8x2048xf32, #tpu.memory_space<hbm>>
        tpu.wait_dma2 semaphore(%arg15 : memref<!tpu.dma_semaphore, #tpu.memory_space<semaphore_mem>>) src(%arg9 : memref<8x2048xf32, #tpu.memory_space<vmem>>) dst(%dma_wait3A_168 : memref<8x2048xf32, #tpu.memory_space<hbm>>)
      } else {
      }
      %parallel_loop3A_78 = arith.constant 0 : i32
      %parallel_loop3A_79 = arith.constant 128 : i32
      %parallel_loop3A_80 = arith.constant 1 : i32
      scf.for %parallel_loop3A_161 = %parallel_loop3A_78 to %parallel_loop3A_79 step %parallel_loop3A_80  : i32 {
        %parallel_loop3A_162 = arith.constant 16 : i32
        %parallel_loop3A_163 = arith.muli %parallel_loop3A_161, %parallel_loop3A_162 : i32
        %parallel_loop3A_164 = arith.index_cast %parallel_loop3A_163 : i32 to index
        %parallel_loop3A_165 = tpu.vector_load %arg5[%parallel_loop3A_164] {strides = array<i32>} : memref<2048xi32, #tpu.memory_space<vmem>>, vector<16xi32>,
        %parallel_loop3A_166 = arith.constant 0 : i32
        %parallel_loop3A_167 = vector.broadcast %parallel_loop3A_166 : i32 to vector<16xi32>
        %parallel_loop3A_168 = tpu.vector_load_idx %arg6[%parallel_loop3A_167, %parallel_loop3A_165] : memref<8x2048xf32, #tpu.memory_space<vmem>>[vector<16xi32>, vector<16xi32>], vector<16xf32>,
        %parallel_loop3A_169 = arith.constant 1 : i32
        %parallel_loop3A_170 = vector.broadcast %parallel_loop3A_169 : i32 to vector<16xi32>
        %parallel_loop3A_171 = tpu.vector_load_idx %arg6[%parallel_loop3A_170, %parallel_loop3A_165] : memref<8x2048xf32, #tpu.memory_space<vmem>>[vector<16xi32>, vector<16xi32>], vector<16xf32>,
        %parallel_loop3A_172 = arith.constant 2 : i32
        %parallel_loop3A_173 = vector.broadcast %parallel_loop3A_172 : i32 to vector<16xi32>
        %parallel_loop3A_174 = tpu.vector_load_idx %arg6[%parallel_loop3A_173, %parallel_loop3A_165] : memref<8x2048xf32, #tpu.memory_space<vmem>>[vector<16xi32>, vector<16xi32>], vector<16xf32>,
        %parallel_loop3A_175 = arith.constant 3 : i32
        %parallel_loop3A_176 = vector.broadcast %parallel_loop3A_175 : i32 to vector<16xi32>
        %parallel_loop3A_177 = tpu.vector_load_idx %arg6[%parallel_loop3A_176, %parallel_loop3A_165] : memref<8x2048xf32, #tpu.memory_space<vmem>>[vector<16xi32>, vector<16xi32>], vector<16xf32>,
        %parallel_loop3A_178 = arith.constant 4 : i32
        %parallel_loop3A_179 = vector.broadcast %parallel_loop3A_178 : i32 to vector<16xi32>
        %parallel_loop3A_180 = tpu.vector_load_idx %arg6[%parallel_loop3A_179, %parallel_loop3A_165] : memref<8x2048xf32, #tpu.memory_space<vmem>>[vector<16xi32>, vector<16xi32>], vector<16xf32>,
        %parallel_loop3A_181 = arith.constant 5 : i32
        %parallel_loop3A_182 = vector.broadcast %parallel_loop3A_181 : i32 to vector<16xi32>
        %parallel_loop3A_183 = tpu.vector_load_idx %arg6[%parallel_loop3A_182, %parallel_loop3A_165] : memref<8x2048xf32, #tpu.memory_space<vmem>>[vector<16xi32>, vector<16xi32>], vector<16xf32>,
        %parallel_loop3A_184 = arith.constant 6 : i32
        %parallel_loop3A_185 = vector.broadcast %parallel_loop3A_184 : i32 to vector<16xi32>
        %parallel_loop3A_186 = tpu.vector_load_idx %arg6[%parallel_loop3A_185, %parallel_loop3A_165] : memref<8x2048xf32, #tpu.memory_space<vmem>>[vector<16xi32>, vector<16xi32>], vector<16xf32>,
        %parallel_loop3A_187 = arith.constant 7 : i32
        %parallel_loop3A_188 = vector.broadcast %parallel_loop3A_187 : i32 to vector<16xi32>
        %parallel_loop3A_189 = tpu.vector_load_idx %arg6[%parallel_loop3A_188, %parallel_loop3A_165] : memref<8x2048xf32, #tpu.memory_space<vmem>>[vector<16xi32>, vector<16xi32>], vector<16xf32>,
        %parallel_loop3A_190 = arith.constant 16 : i32
        %parallel_loop3A_191 = arith.muli %parallel_loop3A_161, %parallel_loop3A_190 : i32
        %parallel_loop3A_192 = arith.constant 0 : i32
        %parallel_loop3A_193 = arith.index_cast %parallel_loop3A_192 : i32 to index
        %parallel_loop3A_194 = arith.index_cast %parallel_loop3A_191 : i32 to index
        %parallel_loop3A_195 = tpu.vector_load %arg9[%parallel_loop3A_193, %parallel_loop3A_194] {strides = array<i32>} : memref<8x2048xf32, #tpu.memory_space<vmem>>, vector<16xf32>,
        tpu.vector_store %arg9[%parallel_loop3A_193, %parallel_loop3A_194], %parallel_loop3A_168 {strides = array<i32>} : memref<8x2048xf32, #tpu.memory_space<vmem>>, vector<16xf32>,
        %parallel_loop3A_196 = arith.constant 16 : i32
        %parallel_loop3A_197 = arith.muli %parallel_loop3A_161, %parallel_loop3A_196 : i32
        %parallel_loop3A_198 = arith.constant 1 : i32
        %parallel_loop3A_199 = arith.index_cast %parallel_loop3A_198 : i32 to index
        %parallel_loop3A_200 = arith.index_cast %parallel_loop3A_197 : i32 to index
        %parallel_loop3A_201 = tpu.vector_load %arg9[%parallel_loop3A_199, %parallel_loop3A_200] {strides = array<i32>} : memref<8x2048xf32, #tpu.memory_space<vmem>>, vector<16xf32>,
        tpu.vector_store %arg9[%parallel_loop3A_199, %parallel_loop3A_200], %parallel_loop3A_171 {strides = array<i32>} : memref<8x2048xf32, #tpu.memory_space<vmem>>, vector<16xf32>,
        %parallel_loop3A_202 = arith.constant 16 : i32
        %parallel_loop3A_203 = arith.muli %parallel_loop3A_161, %parallel_loop3A_202 : i32
        %parallel_loop3A_204 = arith.constant 2 : i32
        %parallel_loop3A_205 = arith.index_cast %parallel_loop3A_204 : i32 to index
        %parallel_loop3A_206 = arith.index_cast %parallel_loop3A_203 : i32 to index
        %parallel_loop3A_207 = tpu.vector_load %arg9[%parallel_loop3A_205, %parallel_loop3A_206] {strides = array<i32>} : memref<8x2048xf32, #tpu.memory_space<vmem>>, vector<16xf32>,
        tpu.vector_store %arg9[%parallel_loop3A_205, %parallel_loop3A_206], %parallel_loop3A_174 {strides = array<i32>} : memref<8x2048xf32, #tpu.memory_space<vmem>>, vector<16xf32>,
        %parallel_loop3A_208 = arith.constant 16 : i32
        %parallel_loop3A_209 = arith.muli %parallel_loop3A_161, %parallel_loop3A_208 : i32
        %parallel_loop3A_210 = arith.constant 3 : i32
        %parallel_loop3A_211 = arith.index_cast %parallel_loop3A_210 : i32 to index
        %parallel_loop3A_212 = arith.index_cast %parallel_loop3A_209 : i32 to index
        %parallel_loop3A_213 = tpu.vector_load %arg9[%parallel_loop3A_211, %parallel_loop3A_212] {strides = array<i32>} : memref<8x2048xf32, #tpu.memory_space<vmem>>, vector<16xf32>,
        tpu.vector_store %arg9[%parallel_loop3A_211, %parallel_loop3A_212], %parallel_loop3A_177 {strides = array<i32>} : memref<8x2048xf32, #tpu.memory_space<vmem>>, vector<16xf32>,
        %parallel_loop3A_214 = arith.constant 16 : i32
        %parallel_loop3A_215 = arith.muli %parallel_loop3A_161, %parallel_loop3A_214 : i32
        %parallel_loop3A_216 = arith.constant 4 : i32
        %parallel_loop3A_217 = arith.index_cast %parallel_loop3A_216 : i32 to index
        %parallel_loop3A_218 = arith.index_cast %parallel_loop3A_215 : i32 to index
        %parallel_loop3A_219 = tpu.vector_load %arg9[%parallel_loop3A_217, %parallel_loop3A_218] {strides = array<i32>} : memref<8x2048xf32, #tpu.memory_space<vmem>>, vector<16xf32>,
        tpu.vector_store %arg9[%parallel_loop3A_217, %parallel_loop3A_218], %parallel_loop3A_180 {strides = array<i32>} : memref<8x2048xf32, #tpu.memory_space<vmem>>, vector<16xf32>,
        %parallel_loop3A_220 = arith.constant 16 : i32
        %parallel_loop3A_221 = arith.muli %parallel_loop3A_161, %parallel_loop3A_220 : i32
        %parallel_loop3A_222 = arith.constant 5 : i32
        %parallel_loop3A_223 = arith.index_cast %parallel_loop3A_222 : i32 to index
        %parallel_loop3A_224 = arith.index_cast %parallel_loop3A_221 : i32 to index
        %parallel_loop3A_225 = tpu.vector_load %arg9[%parallel_loop3A_223, %parallel_loop3A_224] {strides = array<i32>} : memref<8x2048xf32, #tpu.memory_space<vmem>>, vector<16xf32>,
        tpu.vector_store %arg9[%parallel_loop3A_223, %parallel_loop3A_224], %parallel_loop3A_183 {strides = array<i32>} : memref<8x2048xf32, #tpu.memory_space<vmem>>, vector<16xf32>,
        %parallel_loop3A_226 = arith.constant 16 : i32
        %parallel_loop3A_227 = arith.muli %parallel_loop3A_161, %parallel_loop3A_226 : i32
        %parallel_loop3A_228 = arith.constant 6 : i32
        %parallel_loop3A_229 = arith.index_cast %parallel_loop3A_228 : i32 to index
        %parallel_loop3A_230 = arith.index_cast %parallel_loop3A_227 : i32 to index
        %parallel_loop3A_231 = tpu.vector_load %arg9[%parallel_loop3A_229, %parallel_loop3A_230] {strides = array<i32>} : memref<8x2048xf32, #tpu.memory_space<vmem>>, vector<16xf32>,
        tpu.vector_store %arg9[%parallel_loop3A_229, %parallel_loop3A_230], %parallel_loop3A_186 {strides = array<i32>} : memref<8x2048xf32, #tpu.memory_space<vmem>>, vector<16xf32>,
        %parallel_loop3A_232 = arith.constant 16 : i32
        %parallel_loop3A_233 = arith.muli %parallel_loop3A_161, %parallel_loop3A_232 : i32
        %parallel_loop3A_234 = arith.constant 7 : i32
        %parallel_loop3A_235 = arith.index_cast %parallel_loop3A_234 : i32 to index
        %parallel_loop3A_236 = arith.index_cast %parallel_loop3A_233 : i32 to index
        %parallel_loop3A_237 = tpu.vector_load %arg9[%parallel_loop3A_235, %parallel_loop3A_236] {strides = array<i32>} : memref<8x2048xf32, #tpu.memory_space<vmem>>, vector<16xf32>,
        tpu.vector_store %arg9[%parallel_loop3A_235, %parallel_loop3A_236], %parallel_loop3A_189 {strides = array<i32>} : memref<8x2048xf32, #tpu.memory_space<vmem>>, vector<16xf32>,
      } {sc.loop_unroll_factor = 4 : i64, sc.parallel_access}
      %mul3A_81 = arith.constant 8 : i32
      %mul3A_82 = arith.muli %add3A_68, %mul3A_81 : i32
      %add3A_83 = arith.addi %mul3A_2, %mul3A_82 : i32
      %dma_start3A_84 = arith.constant 0 : i32
      %dma_start3A_85 = tpu.memref_slice %arg4[%add3A_83, %dma_start3A_84] : memref<16384x2048xf32, #tpu.memory_space<hbm>> -> memref<8x2048xf32, #tpu.memory_space<hbm>>
      %dma_start3A_86 = arith.constant 0 : i32
      %dma_start3A_87 = tpu.memref_slice %arg4[%add3A_83, %dma_start3A_86] : memref<16384x2048xf32, #tpu.memory_space<hbm>> -> memref<8x2048xf32, #tpu.memory_space<hbm>>
      tpu.enqueue_dma source(%arg9 : memref<8x2048xf32, #tpu.memory_space<vmem>>) target(%dma_start3A_87 : memref<8x2048xf32, #tpu.memory_space<hbm>>) target_semaphore(%arg15 : memref<!tpu.dma_semaphore, #tpu.memory_space<semaphore_mem>>)
      %add3A_88 = arith.constant 3 : i32
      %add3A_89 = arith.addi %add3A_68, %add3A_88 : i32
      %lt3A = arith.constant 64 : i32
      %lt3A_90 = arith.cmpi slt, %add3A_89, %lt3A : i32
      %convert_element_type3A_91 = arith.extui %lt3A_90 : i1 to i32
      %cond3A_92 = arith.constant 0 : i32
      %cond3A_93 = arith.cmpi ne, %convert_element_type3A_91, %cond3A_92 : i32
      scf.if %cond3A_93 {
        %add3A_161 = arith.constant 3 : i32
        %add3A_162 = arith.addi %add3A_68, %add3A_161 : i32
        %mul3A_163 = arith.constant 8 : i32
        %mul3A_164 = arith.muli %add3A_162, %mul3A_163 : i32
        %add3A_165 = arith.addi %mul3A_2, %mul3A_164 : i32
        %dma_start3A_166 = arith.constant 0 : i32
        %dma_start3A_167 = tpu.memref_slice %arg2[%add3A_165, %dma_start3A_166] : memref<16384x2048xf32, #tpu.memory_space<hbm>> -> memref<8x2048xf32, #tpu.memory_space<hbm>>
        %dma_start3A_168 = arith.constant 0 : i32
        %dma_start3A_169 = tpu.memref_slice %arg2[%add3A_165, %dma_start3A_168] : memref<16384x2048xf32, #tpu.memory_space<hbm>> -> memref<8x2048xf32, #tpu.memory_space<hbm>>
        tpu.enqueue_dma source(%dma_start3A_169 : memref<8x2048xf32, #tpu.memory_space<hbm>>) target(%arg6 : memref<8x2048xf32, #tpu.memory_space<vmem>>) target_semaphore(%arg12 : memref<!tpu.dma_semaphore, #tpu.memory_space<semaphore_mem>>)
      } else {
      }
      %mul3A_94 = arith.constant 3 : i32
      %mul3A_95 = arith.muli %scan3A_63, %mul3A_94 : i32
      %add3A_96 = arith.constant 1 : i32
      %add3A_97 = arith.addi %mul3A_95, %add3A_96 : i32
      %mul3A_98 = arith.constant 8 : i32
      %mul3A_99 = arith.muli %add3A_97, %mul3A_98 : i32
      %add3A_100 = arith.addi %mul3A_2, %mul3A_99 : i32
      %dma_wait3A_101 = arith.constant 0 : i32
      %dma_wait3A_102 = tpu.memref_slice %arg2[%add3A_100, %dma_wait3A_101] : memref<16384x2048xf32, #tpu.memory_space<hbm>> -> memref<8x2048xf32, #tpu.memory_space<hbm>>
      %dma_wait3A_103 = arith.constant 0 : i32
      %dma_wait3A_104 = tpu.memref_slice %arg2[%add3A_100, %dma_wait3A_103] : memref<16384x2048xf32, #tpu.memory_space<hbm>> -> memref<8x2048xf32, #tpu.memory_space<hbm>>
      tpu.wait_dma2 semaphore(%arg13 : memref<!tpu.dma_semaphore, #tpu.memory_space<semaphore_mem>>) src(%dma_wait3A_104 : memref<8x2048xf32, #tpu.memory_space<hbm>>) dst(%arg7 : memref<8x2048xf32, #tpu.memory_space<vmem>>)
      %gt3A_105 = arith.constant 0 : i32
      %gt3A_106 = arith.cmpi sgt, %scan3A_63, %gt3A_105 : i32
      %convert_element_type3A_107 = arith.extui %gt3A_106 : i1 to i32
      %cond3A_108 = arith.constant 0 : i32
      %cond3A_109 = arith.cmpi ne, %convert_element_type3A_107, %cond3A_108 : i32
      scf.if %cond3A_109 {
        %sub3A = arith.constant 3 : i32
        %sub3A_161 = arith.subi %add3A_97, %sub3A : i32
        %mul3A_162 = arith.constant 8 : i32
        %mul3A_163 = arith.muli %sub3A_161, %mul3A_162 : i32
        %add3A_164 = arith.addi %mul3A_2, %mul3A_163 : i32
        %dma_wait3A_165 = arith.constant 0 : i32
        %dma_wait3A_166 = tpu.memref_slice %arg4[%add3A_164, %dma_wait3A_165] : memref<16384x2048xf32, #tpu.memory_space<hbm>> -> memref<8x2048xf32, #tpu.memory_space<hbm>>
        %dma_wait3A_167 = arith.constant 0 : i32
        %dma_wait3A_168 = tpu.memref_slice %arg4[%add3A_164, %dma_wait3A_167] : memref<16384x2048xf32, #tpu.memory_space<hbm>> -> memref<8x2048xf32, #tpu.memory_space<hbm>>
        tpu.wait_dma2 semaphore(%arg16 : memref<!tpu.dma_semaphore, #tpu.memory_space<semaphore_mem>>) src(%arg10 : memref<8x2048xf32, #tpu.memory_space<vmem>>) dst(%dma_wait3A_168 : memref<8x2048xf32, #tpu.memory_space<hbm>>)
      } else {
      }
      %parallel_loop3A_110 = arith.constant 0 : i32
      %parallel_loop3A_111 = arith.constant 128 : i32
      %parallel_loop3A_112 = arith.constant 1 : i32
      scf.for %parallel_loop3A_161 = %parallel_loop3A_110 to %parallel_loop3A_111 step %parallel_loop3A_112  : i32 {
        %parallel_loop3A_162 = arith.constant 16 : i32
        %parallel_loop3A_163 = arith.muli %parallel_loop3A_161, %parallel_loop3A_162 : i32
        %parallel_loop3A_164 = arith.index_cast %parallel_loop3A_163 : i32 to index
        %parallel_loop3A_165 = tpu.vector_load %arg5[%parallel_loop3A_164] {strides = array<i32>} : memref<2048xi32, #tpu.memory_space<vmem>>, vector<16xi32>,
        %parallel_loop3A_166 = arith.constant 0 : i32
        %parallel_loop3A_167 = vector.broadcast %parallel_loop3A_166 : i32 to vector<16xi32>
        %parallel_loop3A_168 = tpu.vector_load_idx %arg7[%parallel_loop3A_167, %parallel_loop3A_165] : memref<8x2048xf32, #tpu.memory_space<vmem>>[vector<16xi32>, vector<16xi32>], vector<16xf32>,
        %parallel_loop3A_169 = arith.constant 1 : i32
        %parallel_loop3A_170 = vector.broadcast %parallel_loop3A_169 : i32 to vector<16xi32>
        %parallel_loop3A_171 = tpu.vector_load_idx %arg7[%parallel_loop3A_170, %parallel_loop3A_165] : memref<8x2048xf32, #tpu.memory_space<vmem>>[vector<16xi32>, vector<16xi32>], vector<16xf32>,
        %parallel_loop3A_172 = arith.constant 2 : i32
        %parallel_loop3A_173 = vector.broadcast %parallel_loop3A_172 : i32 to vector<16xi32>
        %parallel_loop3A_174 = tpu.vector_load_idx %arg7[%parallel_loop3A_173, %parallel_loop3A_165] : memref<8x2048xf32, #tpu.memory_space<vmem>>[vector<16xi32>, vector<16xi32>], vector<16xf32>,
        %parallel_loop3A_175 = arith.constant 3 : i32
        %parallel_loop3A_176 = vector.broadcast %parallel_loop3A_175 : i32 to vector<16xi32>
        %parallel_loop3A_177 = tpu.vector_load_idx %arg7[%parallel_loop3A_176, %parallel_loop3A_165] : memref<8x2048xf32, #tpu.memory_space<vmem>>[vector<16xi32>, vector<16xi32>], vector<16xf32>,
        %parallel_loop3A_178 = arith.constant 4 : i32
        %parallel_loop3A_179 = vector.broadcast %parallel_loop3A_178 : i32 to vector<16xi32>
        %parallel_loop3A_180 = tpu.vector_load_idx %arg7[%parallel_loop3A_179, %parallel_loop3A_165] : memref<8x2048xf32, #tpu.memory_space<vmem>>[vector<16xi32>, vector<16xi32>], vector<16xf32>,
        %parallel_loop3A_181 = arith.constant 5 : i32
        %parallel_loop3A_182 = vector.broadcast %parallel_loop3A_181 : i32 to vector<16xi32>
        %parallel_loop3A_183 = tpu.vector_load_idx %arg7[%parallel_loop3A_182, %parallel_loop3A_165] : memref<8x2048xf32, #tpu.memory_space<vmem>>[vector<16xi32>, vector<16xi32>], vector<16xf32>,
        %parallel_loop3A_184 = arith.constant 6 : i32
        %parallel_loop3A_185 = vector.broadcast %parallel_loop3A_184 : i32 to vector<16xi32>
        %parallel_loop3A_186 = tpu.vector_load_idx %arg7[%parallel_loop3A_185, %parallel_loop3A_165] : memref<8x2048xf32, #tpu.memory_space<vmem>>[vector<16xi32>, vector<16xi32>], vector<16xf32>,
        %parallel_loop3A_187 = arith.constant 7 : i32
        %parallel_loop3A_188 = vector.broadcast %parallel_loop3A_187 : i32 to vector<16xi32>
        %parallel_loop3A_189 = tpu.vector_load_idx %arg7[%parallel_loop3A_188, %parallel_loop3A_165] : memref<8x2048xf32, #tpu.memory_space<vmem>>[vector<16xi32>, vector<16xi32>], vector<16xf32>,
        %parallel_loop3A_190 = arith.constant 16 : i32
        %parallel_loop3A_191 = arith.muli %parallel_loop3A_161, %parallel_loop3A_190 : i32
        %parallel_loop3A_192 = arith.constant 0 : i32
        %parallel_loop3A_193 = arith.index_cast %parallel_loop3A_192 : i32 to index
        %parallel_loop3A_194 = arith.index_cast %parallel_loop3A_191 : i32 to index
        %parallel_loop3A_195 = tpu.vector_load %arg10[%parallel_loop3A_193, %parallel_loop3A_194] {strides = array<i32>} : memref<8x2048xf32, #tpu.memory_space<vmem>>, vector<16xf32>,
        tpu.vector_store %arg10[%parallel_loop3A_193, %parallel_loop3A_194], %parallel_loop3A_168 {strides = array<i32>} : memref<8x2048xf32, #tpu.memory_space<vmem>>, vector<16xf32>,
        %parallel_loop3A_196 = arith.constant 16 : i32
        %parallel_loop3A_197 = arith.muli %parallel_loop3A_161, %parallel_loop3A_196 : i32
        %parallel_loop3A_198 = arith.constant 1 : i32
        %parallel_loop3A_199 = arith.index_cast %parallel_loop3A_198 : i32 to index
        %parallel_loop3A_200 = arith.index_cast %parallel_loop3A_197 : i32 to index
        %parallel_loop3A_201 = tpu.vector_load %arg10[%parallel_loop3A_199, %parallel_loop3A_200] {strides = array<i32>} : memref<8x2048xf32, #tpu.memory_space<vmem>>, vector<16xf32>,
        tpu.vector_store %arg10[%parallel_loop3A_199, %parallel_loop3A_200], %parallel_loop3A_171 {strides = array<i32>} : memref<8x2048xf32, #tpu.memory_space<vmem>>, vector<16xf32>,
        %parallel_loop3A_202 = arith.constant 16 : i32
        %parallel_loop3A_203 = arith.muli %parallel_loop3A_161, %parallel_loop3A_202 : i32
        %parallel_loop3A_204 = arith.constant 2 : i32
        %parallel_loop3A_205 = arith.index_cast %parallel_loop3A_204 : i32 to index
        %parallel_loop3A_206 = arith.index_cast %parallel_loop3A_203 : i32 to index
        %parallel_loop3A_207 = tpu.vector_load %arg10[%parallel_loop3A_205, %parallel_loop3A_206] {strides = array<i32>} : memref<8x2048xf32, #tpu.memory_space<vmem>>, vector<16xf32>,
        tpu.vector_store %arg10[%parallel_loop3A_205, %parallel_loop3A_206], %parallel_loop3A_174 {strides = array<i32>} : memref<8x2048xf32, #tpu.memory_space<vmem>>, vector<16xf32>,
        %parallel_loop3A_208 = arith.constant 16 : i32
        %parallel_loop3A_209 = arith.muli %parallel_loop3A_161, %parallel_loop3A_208 : i32
        %parallel_loop3A_210 = arith.constant 3 : i32
        %parallel_loop3A_211 = arith.index_cast %parallel_loop3A_210 : i32 to index
        %parallel_loop3A_212 = arith.index_cast %parallel_loop3A_209 : i32 to index
        %parallel_loop3A_213 = tpu.vector_load %arg10[%parallel_loop3A_211, %parallel_loop3A_212] {strides = array<i32>} : memref<8x2048xf32, #tpu.memory_space<vmem>>, vector<16xf32>,
        tpu.vector_store %arg10[%parallel_loop3A_211, %parallel_loop3A_212], %parallel_loop3A_177 {strides = array<i32>} : memref<8x2048xf32, #tpu.memory_space<vmem>>, vector<16xf32>,
        %parallel_loop3A_214 = arith.constant 16 : i32
        %parallel_loop3A_215 = arith.muli %parallel_loop3A_161, %parallel_loop3A_214 : i32
        %parallel_loop3A_216 = arith.constant 4 : i32
        %parallel_loop3A_217 = arith.index_cast %parallel_loop3A_216 : i32 to index
        %parallel_loop3A_218 = arith.index_cast %parallel_loop3A_215 : i32 to index
        %parallel_loop3A_219 = tpu.vector_load %arg10[%parallel_loop3A_217, %parallel_loop3A_218] {strides = array<i32>} : memref<8x2048xf32, #tpu.memory_space<vmem>>, vector<16xf32>,
        tpu.vector_store %arg10[%parallel_loop3A_217, %parallel_loop3A_218], %parallel_loop3A_180 {strides = array<i32>} : memref<8x2048xf32, #tpu.memory_space<vmem>>, vector<16xf32>,
        %parallel_loop3A_220 = arith.constant 16 : i32
        %parallel_loop3A_221 = arith.muli %parallel_loop3A_161, %parallel_loop3A_220 : i32
        %parallel_loop3A_222 = arith.constant 5 : i32
        %parallel_loop3A_223 = arith.index_cast %parallel_loop3A_222 : i32 to index
        %parallel_loop3A_224 = arith.index_cast %parallel_loop3A_221 : i32 to index
        %parallel_loop3A_225 = tpu.vector_load %arg10[%parallel_loop3A_223, %parallel_loop3A_224] {strides = array<i32>} : memref<8x2048xf32, #tpu.memory_space<vmem>>, vector<16xf32>,
        tpu.vector_store %arg10[%parallel_loop3A_223, %parallel_loop3A_224], %parallel_loop3A_183 {strides = array<i32>} : memref<8x2048xf32, #tpu.memory_space<vmem>>, vector<16xf32>,
        %parallel_loop3A_226 = arith.constant 16 : i32
        %parallel_loop3A_227 = arith.muli %parallel_loop3A_161, %parallel_loop3A_226 : i32
        %parallel_loop3A_228 = arith.constant 6 : i32
        %parallel_loop3A_229 = arith.index_cast %parallel_loop3A_228 : i32 to index
        %parallel_loop3A_230 = arith.index_cast %parallel_loop3A_227 : i32 to index
        %parallel_loop3A_231 = tpu.vector_load %arg10[%parallel_loop3A_229, %parallel_loop3A_230] {strides = array<i32>} : memref<8x2048xf32, #tpu.memory_space<vmem>>, vector<16xf32>,
        tpu.vector_store %arg10[%parallel_loop3A_229, %parallel_loop3A_230], %parallel_loop3A_186 {strides = array<i32>} : memref<8x2048xf32, #tpu.memory_space<vmem>>, vector<16xf32>,
        %parallel_loop3A_232 = arith.constant 16 : i32
        %parallel_loop3A_233 = arith.muli %parallel_loop3A_161, %parallel_loop3A_232 : i32
        %parallel_loop3A_234 = arith.constant 7 : i32
        %parallel_loop3A_235 = arith.index_cast %parallel_loop3A_234 : i32 to index
        %parallel_loop3A_236 = arith.index_cast %parallel_loop3A_233 : i32 to index
        %parallel_loop3A_237 = tpu.vector_load %arg10[%parallel_loop3A_235, %parallel_loop3A_236] {strides = array<i32>} : memref<8x2048xf32, #tpu.memory_space<vmem>>, vector<16xf32>,
        tpu.vector_store %arg10[%parallel_loop3A_235, %parallel_loop3A_236], %parallel_loop3A_189 {strides = array<i32>} : memref<8x2048xf32, #tpu.memory_space<vmem>>, vector<16xf32>,
      } {sc.loop_unroll_factor = 4 : i64, sc.parallel_access}
      %mul3A_113 = arith.constant 8 : i32
      %mul3A_114 = arith.muli %add3A_97, %mul3A_113 : i32
      %add3A_115 = arith.addi %mul3A_2, %mul3A_114 : i32
      %dma_start3A_116 = arith.constant 0 : i32
      %dma_start3A_117 = tpu.memref_slice %arg4[%add3A_115, %dma_start3A_116] : memref<16384x2048xf32, #tpu.memory_space<hbm>> -> memref<8x2048xf32, #tpu.memory_space<hbm>>
      %dma_start3A_118 = arith.constant 0 : i32
      %dma_start3A_119 = tpu.memref_slice %arg4[%add3A_115, %dma_start3A_118] : memref<16384x2048xf32, #tpu.memory_space<hbm>> -> memref<8x2048xf32, #tpu.memory_space<hbm>>
      tpu.enqueue_dma source(%arg10 : memref<8x2048xf32, #tpu.memory_space<vmem>>) target(%dma_start3A_119 : memref<8x2048xf32, #tpu.memory_space<hbm>>) target_semaphore(%arg16 : memref<!tpu.dma_semaphore, #tpu.memory_space<semaphore_mem>>)
      %add3A_120 = arith.constant 3 : i32
      %add3A_121 = arith.addi %add3A_97, %add3A_120 : i32
      %lt3A_122 = arith.constant 64 : i32
      %lt3A_123 = arith.cmpi slt, %add3A_121, %lt3A_122 : i32
      %convert_element_type3A_124 = arith.extui %lt3A_123 : i1 to i32
      %cond3A_125 = arith.constant 0 : i32
      %cond3A_126 = arith.cmpi ne, %convert_element_type3A_124, %cond3A_125 : i32
      scf.if %cond3A_126 {
        %add3A_161 = arith.constant 3 : i32
        %add3A_162 = arith.addi %add3A_97, %add3A_161 : i32
        %mul3A_163 = arith.constant 8 : i32
        %mul3A_164 = arith.muli %add3A_162, %mul3A_163 : i32
        %add3A_165 = arith.addi %mul3A_2, %mul3A_164 : i32
        %dma_start3A_166 = arith.constant 0 : i32
        %dma_start3A_167 = tpu.memref_slice %arg2[%add3A_165, %dma_start3A_166] : memref<16384x2048xf32, #tpu.memory_space<hbm>> -> memref<8x2048xf32, #tpu.memory_space<hbm>>
        %dma_start3A_168 = arith.constant 0 : i32
        %dma_start3A_169 = tpu.memref_slice %arg2[%add3A_165, %dma_start3A_168] : memref<16384x2048xf32, #tpu.memory_space<hbm>> -> memref<8x2048xf32, #tpu.memory_space<hbm>>
        tpu.enqueue_dma source(%dma_start3A_169 : memref<8x2048xf32, #tpu.memory_space<hbm>>) target(%arg7 : memref<8x2048xf32, #tpu.memory_space<vmem>>) target_semaphore(%arg13 : memref<!tpu.dma_semaphore, #tpu.memory_space<semaphore_mem>>)
      } else {
      }
      %mul3A_127 = arith.constant 3 : i32
      %mul3A_128 = arith.muli %scan3A_63, %mul3A_127 : i32
      %add3A_129 = arith.constant 2 : i32
      %add3A_130 = arith.addi %mul3A_128, %add3A_129 : i32
      %mul3A_131 = arith.constant 8 : i32
      %mul3A_132 = arith.muli %add3A_130, %mul3A_131 : i32
      %add3A_133 = arith.addi %mul3A_2, %mul3A_132 : i32
      %dma_wait3A_134 = arith.constant 0 : i32
      %dma_wait3A_135 = tpu.memref_slice %arg2[%add3A_133, %dma_wait3A_134] : memref<16384x2048xf32, #tpu.memory_space<hbm>> -> memref<8x2048xf32, #tpu.memory_space<hbm>>
      %dma_wait3A_136 = arith.constant 0 : i32
      %dma_wait3A_137 = tpu.memref_slice %arg2[%add3A_133, %dma_wait3A_136] : memref<16384x2048xf32, #tpu.memory_space<hbm>> -> memref<8x2048xf32, #tpu.memory_space<hbm>>
      tpu.wait_dma2 semaphore(%arg14 : memref<!tpu.dma_semaphore, #tpu.memory_space<semaphore_mem>>) src(%dma_wait3A_137 : memref<8x2048xf32, #tpu.memory_space<hbm>>) dst(%arg8 : memref<8x2048xf32, #tpu.memory_space<vmem>>)
      %gt3A_138 = arith.constant 0 : i32
      %gt3A_139 = arith.cmpi sgt, %scan3A_63, %gt3A_138 : i32
      %convert_element_type3A_140 = arith.extui %gt3A_139 : i1 to i32
      %cond3A_141 = arith.constant 0 : i32
      %cond3A_142 = arith.cmpi ne, %convert_element_type3A_140, %cond3A_141 : i32
      scf.if %cond3A_142 {
        %sub3A = arith.constant 3 : i32
        %sub3A_161 = arith.subi %add3A_130, %sub3A : i32
        %mul3A_162 = arith.constant 8 : i32
        %mul3A_163 = arith.muli %sub3A_161, %mul3A_162 : i32
        %add3A_164 = arith.addi %mul3A_2, %mul3A_163 : i32
        %dma_wait3A_165 = arith.constant 0 : i32
        %dma_wait3A_166 = tpu.memref_slice %arg4[%add3A_164, %dma_wait3A_165] : memref<16384x2048xf32, #tpu.memory_space<hbm>> -> memref<8x2048xf32, #tpu.memory_space<hbm>>
        %dma_wait3A_167 = arith.constant 0 : i32
        %dma_wait3A_168 = tpu.memref_slice %arg4[%add3A_164, %dma_wait3A_167] : memref<16384x2048xf32, #tpu.memory_space<hbm>> -> memref<8x2048xf32, #tpu.memory_space<hbm>>
        tpu.wait_dma2 semaphore(%arg17 : memref<!tpu.dma_semaphore, #tpu.memory_space<semaphore_mem>>) src(%arg11 : memref<8x2048xf32, #tpu.memory_space<vmem>>) dst(%dma_wait3A_168 : memref<8x2048xf32, #tpu.memory_space<hbm>>)
      } else {
      }
      %parallel_loop3A_143 = arith.constant 0 : i32
      %parallel_loop3A_144 = arith.constant 128 : i32
      %parallel_loop3A_145 = arith.constant 1 : i32
      scf.for %parallel_loop3A_161 = %parallel_loop3A_143 to %parallel_loop3A_144 step %parallel_loop3A_145  : i32 {
        %parallel_loop3A_162 = arith.constant 16 : i32
        %parallel_loop3A_163 = arith.muli %parallel_loop3A_161, %parallel_loop3A_162 : i32
        %parallel_loop3A_164 = arith.index_cast %parallel_loop3A_163 : i32 to index
        %parallel_loop3A_165 = tpu.vector_load %arg5[%parallel_loop3A_164] {strides = array<i32>} : memref<2048xi32, #tpu.memory_space<vmem>>, vector<16xi32>,
        %parallel_loop3A_166 = arith.constant 0 : i32
        %parallel_loop3A_167 = vector.broadcast %parallel_loop3A_166 : i32 to vector<16xi32>
        %parallel_loop3A_168 = tpu.vector_load_idx %arg8[%parallel_loop3A_167, %parallel_loop3A_165] : memref<8x2048xf32, #tpu.memory_space<vmem>>[vector<16xi32>, vector<16xi32>], vector<16xf32>,
        %parallel_loop3A_169 = arith.constant 1 : i32
        %parallel_loop3A_170 = vector.broadcast %parallel_loop3A_169 : i32 to vector<16xi32>
        %parallel_loop3A_171 = tpu.vector_load_idx %arg8[%parallel_loop3A_170, %parallel_loop3A_165] : memref<8x2048xf32, #tpu.memory_space<vmem>>[vector<16xi32>, vector<16xi32>], vector<16xf32>,
        %parallel_loop3A_172 = arith.constant 2 : i32
        %parallel_loop3A_173 = vector.broadcast %parallel_loop3A_172 : i32 to vector<16xi32>
        %parallel_loop3A_174 = tpu.vector_load_idx %arg8[%parallel_loop3A_173, %parallel_loop3A_165] : memref<8x2048xf32, #tpu.memory_space<vmem>>[vector<16xi32>, vector<16xi32>], vector<16xf32>,
        %parallel_loop3A_175 = arith.constant 3 : i32
        %parallel_loop3A_176 = vector.broadcast %parallel_loop3A_175 : i32 to vector<16xi32>
        %parallel_loop3A_177 = tpu.vector_load_idx %arg8[%parallel_loop3A_176, %parallel_loop3A_165] : memref<8x2048xf32, #tpu.memory_space<vmem>>[vector<16xi32>, vector<16xi32>], vector<16xf32>,
        %parallel_loop3A_178 = arith.constant 4 : i32
        %parallel_loop3A_179 = vector.broadcast %parallel_loop3A_178 : i32 to vector<16xi32>
        %parallel_loop3A_180 = tpu.vector_load_idx %arg8[%parallel_loop3A_179, %parallel_loop3A_165] : memref<8x2048xf32, #tpu.memory_space<vmem>>[vector<16xi32>, vector<16xi32>], vector<16xf32>,
        %parallel_loop3A_181 = arith.constant 5 : i32
        %parallel_loop3A_182 = vector.broadcast %parallel_loop3A_181 : i32 to vector<16xi32>
        %parallel_loop3A_183 = tpu.vector_load_idx %arg8[%parallel_loop3A_182, %parallel_loop3A_165] : memref<8x2048xf32, #tpu.memory_space<vmem>>[vector<16xi32>, vector<16xi32>], vector<16xf32>,
        %parallel_loop3A_184 = arith.constant 6 : i32
        %parallel_loop3A_185 = vector.broadcast %parallel_loop3A_184 : i32 to vector<16xi32>
        %parallel_loop3A_186 = tpu.vector_load_idx %arg8[%parallel_loop3A_185, %parallel_loop3A_165] : memref<8x2048xf32, #tpu.memory_space<vmem>>[vector<16xi32>, vector<16xi32>], vector<16xf32>,
        %parallel_loop3A_187 = arith.constant 7 : i32
        %parallel_loop3A_188 = vector.broadcast %parallel_loop3A_187 : i32 to vector<16xi32>
        %parallel_loop3A_189 = tpu.vector_load_idx %arg8[%parallel_loop3A_188, %parallel_loop3A_165] : memref<8x2048xf32, #tpu.memory_space<vmem>>[vector<16xi32>, vector<16xi32>], vector<16xf32>,
        %parallel_loop3A_190 = arith.constant 16 : i32
        %parallel_loop3A_191 = arith.muli %parallel_loop3A_161, %parallel_loop3A_190 : i32
        %parallel_loop3A_192 = arith.constant 0 : i32
        %parallel_loop3A_193 = arith.index_cast %parallel_loop3A_192 : i32 to index
        %parallel_loop3A_194 = arith.index_cast %parallel_loop3A_191 : i32 to index
        %parallel_loop3A_195 = tpu.vector_load %arg11[%parallel_loop3A_193, %parallel_loop3A_194] {strides = array<i32>} : memref<8x2048xf32, #tpu.memory_space<vmem>>, vector<16xf32>,
        tpu.vector_store %arg11[%parallel_loop3A_193, %parallel_loop3A_194], %parallel_loop3A_168 {strides = array<i32>} : memref<8x2048xf32, #tpu.memory_space<vmem>>, vector<16xf32>,
        %parallel_loop3A_196 = arith.constant 16 : i32
        %parallel_loop3A_197 = arith.muli %parallel_loop3A_161, %parallel_loop3A_196 : i32
        %parallel_loop3A_198 = arith.constant 1 : i32
        %parallel_loop3A_199 = arith.index_cast %parallel_loop3A_198 : i32 to index
        %parallel_loop3A_200 = arith.index_cast %parallel_loop3A_197 : i32 to index
        %parallel_loop3A_201 = tpu.vector_load %arg11[%parallel_loop3A_199, %parallel_loop3A_200] {strides = array<i32>} : memref<8x2048xf32, #tpu.memory_space<vmem>>, vector<16xf32>,
        tpu.vector_store %arg11[%parallel_loop3A_199, %parallel_loop3A_200], %parallel_loop3A_171 {strides = array<i32>} : memref<8x2048xf32, #tpu.memory_space<vmem>>, vector<16xf32>,
        %parallel_loop3A_202 = arith.constant 16 : i32
        %parallel_loop3A_203 = arith.muli %parallel_loop3A_161, %parallel_loop3A_202 : i32
        %parallel_loop3A_204 = arith.constant 2 : i32
        %parallel_loop3A_205 = arith.index_cast %parallel_loop3A_204 : i32 to index
        %parallel_loop3A_206 = arith.index_cast %parallel_loop3A_203 : i32 to index
        %parallel_loop3A_207 = tpu.vector_load %arg11[%parallel_loop3A_205, %parallel_loop3A_206] {strides = array<i32>} : memref<8x2048xf32, #tpu.memory_space<vmem>>, vector<16xf32>,
        tpu.vector_store %arg11[%parallel_loop3A_205, %parallel_loop3A_206], %parallel_loop3A_174 {strides = array<i32>} : memref<8x2048xf32, #tpu.memory_space<vmem>>, vector<16xf32>,
        %parallel_loop3A_208 = arith.constant 16 : i32
        %parallel_loop3A_209 = arith.muli %parallel_loop3A_161, %parallel_loop3A_208 : i32
        %parallel_loop3A_210 = arith.constant 3 : i32
        %parallel_loop3A_211 = arith.index_cast %parallel_loop3A_210 : i32 to index
        %parallel_loop3A_212 = arith.index_cast %parallel_loop3A_209 : i32 to index
        %parallel_loop3A_213 = tpu.vector_load %arg11[%parallel_loop3A_211, %parallel_loop3A_212] {strides = array<i32>} : memref<8x2048xf32, #tpu.memory_space<vmem>>, vector<16xf32>,
        tpu.vector_store %arg11[%parallel_loop3A_211, %parallel_loop3A_212], %parallel_loop3A_177 {strides = array<i32>} : memref<8x2048xf32, #tpu.memory_space<vmem>>, vector<16xf32>,
        %parallel_loop3A_214 = arith.constant 16 : i32
        %parallel_loop3A_215 = arith.muli %parallel_loop3A_161, %parallel_loop3A_214 : i32
        %parallel_loop3A_216 = arith.constant 4 : i32
        %parallel_loop3A_217 = arith.index_cast %parallel_loop3A_216 : i32 to index
        %parallel_loop3A_218 = arith.index_cast %parallel_loop3A_215 : i32 to index
        %parallel_loop3A_219 = tpu.vector_load %arg11[%parallel_loop3A_217, %parallel_loop3A_218] {strides = array<i32>} : memref<8x2048xf32, #tpu.memory_space<vmem>>, vector<16xf32>,
        tpu.vector_store %arg11[%parallel_loop3A_217, %parallel_loop3A_218], %parallel_loop3A_180 {strides = array<i32>} : memref<8x2048xf32, #tpu.memory_space<vmem>>, vector<16xf32>,
        %parallel_loop3A_220 = arith.constant 16 : i32
        %parallel_loop3A_221 = arith.muli %parallel_loop3A_161, %parallel_loop3A_220 : i32
        %parallel_loop3A_222 = arith.constant 5 : i32
        %parallel_loop3A_223 = arith.index_cast %parallel_loop3A_222 : i32 to index
        %parallel_loop3A_224 = arith.index_cast %parallel_loop3A_221 : i32 to index
        %parallel_loop3A_225 = tpu.vector_load %arg11[%parallel_loop3A_223, %parallel_loop3A_224] {strides = array<i32>} : memref<8x2048xf32, #tpu.memory_space<vmem>>, vector<16xf32>,
        tpu.vector_store %arg11[%parallel_loop3A_223, %parallel_loop3A_224], %parallel_loop3A_183 {strides = array<i32>} : memref<8x2048xf32, #tpu.memory_space<vmem>>, vector<16xf32>,
        %parallel_loop3A_226 = arith.constant 16 : i32
        %parallel_loop3A_227 = arith.muli %parallel_loop3A_161, %parallel_loop3A_226 : i32
        %parallel_loop3A_228 = arith.constant 6 : i32
        %parallel_loop3A_229 = arith.index_cast %parallel_loop3A_228 : i32 to index
        %parallel_loop3A_230 = arith.index_cast %parallel_loop3A_227 : i32 to index
        %parallel_loop3A_231 = tpu.vector_load %arg11[%parallel_loop3A_229, %parallel_loop3A_230] {strides = array<i32>} : memref<8x2048xf32, #tpu.memory_space<vmem>>, vector<16xf32>,
        tpu.vector_store %arg11[%parallel_loop3A_229, %parallel_loop3A_230], %parallel_loop3A_186 {strides = array<i32>} : memref<8x2048xf32, #tpu.memory_space<vmem>>, vector<16xf32>,
        %parallel_loop3A_232 = arith.constant 16 : i32
        %parallel_loop3A_233 = arith.muli %parallel_loop3A_161, %parallel_loop3A_232 : i32
        %parallel_loop3A_234 = arith.constant 7 : i32
        %parallel_loop3A_235 = arith.index_cast %parallel_loop3A_234 : i32 to index
        %parallel_loop3A_236 = arith.index_cast %parallel_loop3A_233 : i32 to index
        %parallel_loop3A_237 = tpu.vector_load %arg11[%parallel_loop3A_235, %parallel_loop3A_236] {strides = array<i32>} : memref<8x2048xf32, #tpu.memory_space<vmem>>, vector<16xf32>,
        tpu.vector_store %arg11[%parallel_loop3A_235, %parallel_loop3A_236], %parallel_loop3A_189 {strides = array<i32>} : memref<8x2048xf32, #tpu.memory_space<vmem>>, vector<16xf32>,
      } {sc.loop_unroll_factor = 4 : i64, sc.parallel_access}
      %mul3A_146 = arith.constant 8 : i32
      %mul3A_147 = arith.muli %add3A_130, %mul3A_146 : i32
      %add3A_148 = arith.addi %mul3A_2, %mul3A_147 : i32
      %dma_start3A_149 = arith.constant 0 : i32
      %dma_start3A_150 = tpu.memref_slice %arg4[%add3A_148, %dma_start3A_149] : memref<16384x2048xf32, #tpu.memory_space<hbm>> -> memref<8x2048xf32, #tpu.memory_space<hbm>>
      %dma_start3A_151 = arith.constant 0 : i32
      %dma_start3A_152 = tpu.memref_slice %arg4[%add3A_148, %dma_start3A_151] : memref<16384x2048xf32, #tpu.memory_space<hbm>> -> memref<8x2048xf32, #tpu.memory_space<hbm>>
      tpu.enqueue_dma source(%arg11 : memref<8x2048xf32, #tpu.memory_space<vmem>>) target(%dma_start3A_152 : memref<8x2048xf32, #tpu.memory_space<hbm>>) target_semaphore(%arg17 : memref<!tpu.dma_semaphore, #tpu.memory_space<semaphore_mem>>)
      %add3A_153 = arith.constant 3 : i32
      %add3A_154 = arith.addi %add3A_130, %add3A_153 : i32
      %lt3A_155 = arith.constant 64 : i32
      %lt3A_156 = arith.cmpi slt, %add3A_154, %lt3A_155 : i32
      %convert_element_type3A_157 = arith.extui %lt3A_156 : i1 to i32
      %cond3A_158 = arith.constant 0 : i32
      %cond3A_159 = arith.cmpi ne, %convert_element_type3A_157, %cond3A_158 : i32
      scf.if %cond3A_159 {
        %add3A_161 = arith.constant 3 : i32
        %add3A_162 = arith.addi %add3A_130, %add3A_161 : i32
        %mul3A_163 = arith.constant 8 : i32
        %mul3A_164 = arith.muli %add3A_162, %mul3A_163 : i32
        %add3A_165 = arith.addi %mul3A_2, %mul3A_164 : i32
        %dma_start3A_166 = arith.constant 0 : i32
        %dma_start3A_167 = tpu.memref_slice %arg2[%add3A_165, %dma_start3A_166] : memref<16384x2048xf32, #tpu.memory_space<hbm>> -> memref<8x2048xf32, #tpu.memory_space<hbm>>
        %dma_start3A_168 = arith.constant 0 : i32
        %dma_start3A_169 = tpu.memref_slice %arg2[%add3A_165, %dma_start3A_168] : memref<16384x2048xf32, #tpu.memory_space<hbm>> -> memref<8x2048xf32, #tpu.memory_space<hbm>>
        tpu.enqueue_dma source(%dma_start3A_169 : memref<8x2048xf32, #tpu.memory_space<hbm>>) target(%arg8 : memref<8x2048xf32, #tpu.memory_space<vmem>>) target_semaphore(%arg14 : memref<!tpu.dma_semaphore, #tpu.memory_space<semaphore_mem>>)
      } else {
      }
      %scan3A_160 = arith.constant 0 : i32
      scf.yield %scan3A_160 : i32
    }
    %scan3A_25 = arith.constant 21 : i32
    %add3A_26 = arith.constant 504 : i32
    %add3A_27 = arith.addi %mul3A_2, %add3A_26 : i32
    %dma_wait3A = arith.constant 0 : i32
    %dma_wait3A_28 = tpu.memref_slice %arg2[%add3A_27, %dma_wait3A] : memref<16384x2048xf32, #tpu.memory_space<hbm>> -> memref<8x2048xf32, #tpu.memory_space<hbm>>
    %dma_wait3A_29 = arith.constant 0 : i32
    %dma_wait3A_30 = tpu.memref_slice %arg2[%add3A_27, %dma_wait3A_29] : memref<16384x2048xf32, #tpu.memory_space<hbm>> -> memref<8x2048xf32, #tpu.memory_space<hbm>>
    tpu.wait_dma2 semaphore(%arg12 : memref<!tpu.dma_semaphore, #tpu.memory_space<semaphore_mem>>) src(%dma_wait3A_30 : memref<8x2048xf32, #tpu.memory_space<hbm>>) dst(%arg6 : memref<8x2048xf32, #tpu.memory_space<vmem>>)
    %add3A_31 = arith.constant 480 : i32
    %add3A_32 = arith.addi %mul3A_2, %add3A_31 : i32
    %dma_wait3A_33 = arith.constant 0 : i32
    %dma_wait3A_34 = tpu.memref_slice %arg4[%add3A_32, %dma_wait3A_33] : memref<16384x2048xf32, #tpu.memory_space<hbm>> -> memref<8x2048xf32, #tpu.memory_space<hbm>>
    %dma_wait3A_35 = arith.constant 0 : i32
    %dma_wait3A_36 = tpu.memref_slice %arg4[%add3A_32, %dma_wait3A_35] : memref<16384x2048xf32, #tpu.memory_space<hbm>> -> memref<8x2048xf32, #tpu.memory_space<hbm>>
    tpu.wait_dma2 semaphore(%arg15 : memref<!tpu.dma_semaphore, #tpu.memory_space<semaphore_mem>>) src(%arg9 : memref<8x2048xf32, #tpu.memory_space<vmem>>) dst(%dma_wait3A_36 : memref<8x2048xf32, #tpu.memory_space<hbm>>)
    %parallel_loop3A = arith.constant 0 : i32
    %parallel_loop3A_37 = arith.constant 128 : i32
    %parallel_loop3A_38 = arith.constant 1 : i32
    scf.for %parallel_loop3A_63 = %parallel_loop3A to %parallel_loop3A_37 step %parallel_loop3A_38  : i32 {
      %parallel_loop3A_64 = arith.constant 16 : i32
      %parallel_loop3A_65 = arith.muli %parallel_loop3A_63, %parallel_loop3A_64 : i32
      %parallel_loop3A_66 = arith.index_cast %parallel_loop3A_65 : i32 to index
      %parallel_loop3A_67 = tpu.vector_load %arg5[%parallel_loop3A_66] {strides = array<i32>} : memref<2048xi32, #tpu.memory_space<vmem>>, vector<16xi32>,
      %parallel_loop3A_68 = arith.constant 0 : i32
      %parallel_loop3A_69 = vector.broadcast %parallel_loop3A_68 : i32 to vector<16xi32>
      %parallel_loop3A_70 = tpu.vector_load_idx %arg6[%parallel_loop3A_69, %parallel_loop3A_67] : memref<8x2048xf32, #tpu.memory_space<vmem>>[vector<16xi32>, vector<16xi32>], vector<16xf32>,
      %parallel_loop3A_71 = arith.constant 1 : i32
      %parallel_loop3A_72 = vector.broadcast %parallel_loop3A_71 : i32 to vector<16xi32>
      %parallel_loop3A_73 = tpu.vector_load_idx %arg6[%parallel_loop3A_72, %parallel_loop3A_67] : memref<8x2048xf32, #tpu.memory_space<vmem>>[vector<16xi32>, vector<16xi32>], vector<16xf32>,
      %parallel_loop3A_74 = arith.constant 2 : i32
      %parallel_loop3A_75 = vector.broadcast %parallel_loop3A_74 : i32 to vector<16xi32>
      %parallel_loop3A_76 = tpu.vector_load_idx %arg6[%parallel_loop3A_75, %parallel_loop3A_67] : memref<8x2048xf32, #tpu.memory_space<vmem>>[vector<16xi32>, vector<16xi32>], vector<16xf32>,
      %parallel_loop3A_77 = arith.constant 3 : i32
      %parallel_loop3A_78 = vector.broadcast %parallel_loop3A_77 : i32 to vector<16xi32>
      %parallel_loop3A_79 = tpu.vector_load_idx %arg6[%parallel_loop3A_78, %parallel_loop3A_67] : memref<8x2048xf32, #tpu.memory_space<vmem>>[vector<16xi32>, vector<16xi32>], vector<16xf32>,
      %parallel_loop3A_80 = arith.constant 4 : i32
      %parallel_loop3A_81 = vector.broadcast %parallel_loop3A_80 : i32 to vector<16xi32>
      %parallel_loop3A_82 = tpu.vector_load_idx %arg6[%parallel_loop3A_81, %parallel_loop3A_67] : memref<8x2048xf32, #tpu.memory_space<vmem>>[vector<16xi32>, vector<16xi32>], vector<16xf32>,
      %parallel_loop3A_83 = arith.constant 5 : i32
      %parallel_loop3A_84 = vector.broadcast %parallel_loop3A_83 : i32 to vector<16xi32>
      %parallel_loop3A_85 = tpu.vector_load_idx %arg6[%parallel_loop3A_84, %parallel_loop3A_67] : memref<8x2048xf32, #tpu.memory_space<vmem>>[vector<16xi32>, vector<16xi32>], vector<16xf32>,
      %parallel_loop3A_86 = arith.constant 6 : i32
      %parallel_loop3A_87 = vector.broadcast %parallel_loop3A_86 : i32 to vector<16xi32>
      %parallel_loop3A_88 = tpu.vector_load_idx %arg6[%parallel_loop3A_87, %parallel_loop3A_67] : memref<8x2048xf32, #tpu.memory_space<vmem>>[vector<16xi32>, vector<16xi32>], vector<16xf32>,
      %parallel_loop3A_89 = arith.constant 7 : i32
      %parallel_loop3A_90 = vector.broadcast %parallel_loop3A_89 : i32 to vector<16xi32>
      %parallel_loop3A_91 = tpu.vector_load_idx %arg6[%parallel_loop3A_90, %parallel_loop3A_67] : memref<8x2048xf32, #tpu.memory_space<vmem>>[vector<16xi32>, vector<16xi32>], vector<16xf32>,
      %parallel_loop3A_92 = arith.constant 16 : i32
      %parallel_loop3A_93 = arith.muli %parallel_loop3A_63, %parallel_loop3A_92 : i32
      %parallel_loop3A_94 = arith.constant 0 : i32
      %parallel_loop3A_95 = arith.index_cast %parallel_loop3A_94 : i32 to index
      %parallel_loop3A_96 = arith.index_cast %parallel_loop3A_93 : i32 to index
      %parallel_loop3A_97 = tpu.vector_load %arg9[%parallel_loop3A_95, %parallel_loop3A_96] {strides = array<i32>} : memref<8x2048xf32, #tpu.memory_space<vmem>>, vector<16xf32>,
      tpu.vector_store %arg9[%parallel_loop3A_95, %parallel_loop3A_96], %parallel_loop3A_70 {strides = array<i32>} : memref<8x2048xf32, #tpu.memory_space<vmem>>, vector<16xf32>,
      %parallel_loop3A_98 = arith.constant 16 : i32
      %parallel_loop3A_99 = arith.muli %parallel_loop3A_63, %parallel_loop3A_98 : i32
      %parallel_loop3A_100 = arith.constant 1 : i32
      %parallel_loop3A_101 = arith.index_cast %parallel_loop3A_100 : i32 to index
      %parallel_loop3A_102 = arith.index_cast %parallel_loop3A_99 : i32 to index
      %parallel_loop3A_103 = tpu.vector_load %arg9[%parallel_loop3A_101, %parallel_loop3A_102] {strides = array<i32>} : memref<8x2048xf32, #tpu.memory_space<vmem>>, vector<16xf32>,
      tpu.vector_store %arg9[%parallel_loop3A_101, %parallel_loop3A_102], %parallel_loop3A_73 {strides = array<i32>} : memref<8x2048xf32, #tpu.memory_space<vmem>>, vector<16xf32>,
      %parallel_loop3A_104 = arith.constant 16 : i32
      %parallel_loop3A_105 = arith.muli %parallel_loop3A_63, %parallel_loop3A_104 : i32
      %parallel_loop3A_106 = arith.constant 2 : i32
      %parallel_loop3A_107 = arith.index_cast %parallel_loop3A_106 : i32 to index
      %parallel_loop3A_108 = arith.index_cast %parallel_loop3A_105 : i32 to index
      %parallel_loop3A_109 = tpu.vector_load %arg9[%parallel_loop3A_107, %parallel_loop3A_108] {strides = array<i32>} : memref<8x2048xf32, #tpu.memory_space<vmem>>, vector<16xf32>,
      tpu.vector_store %arg9[%parallel_loop3A_107, %parallel_loop3A_108], %parallel_loop3A_76 {strides = array<i32>} : memref<8x2048xf32, #tpu.memory_space<vmem>>, vector<16xf32>,
      %parallel_loop3A_110 = arith.constant 16 : i32
      %parallel_loop3A_111 = arith.muli %parallel_loop3A_63, %parallel_loop3A_110 : i32
      %parallel_loop3A_112 = arith.constant 3 : i32
      %parallel_loop3A_113 = arith.index_cast %parallel_loop3A_112 : i32 to index
      %parallel_loop3A_114 = arith.index_cast %parallel_loop3A_111 : i32 to index
      %parallel_loop3A_115 = tpu.vector_load %arg9[%parallel_loop3A_113, %parallel_loop3A_114] {strides = array<i32>} : memref<8x2048xf32, #tpu.memory_space<vmem>>, vector<16xf32>,
      tpu.vector_store %arg9[%parallel_loop3A_113, %parallel_loop3A_114], %parallel_loop3A_79 {strides = array<i32>} : memref<8x2048xf32, #tpu.memory_space<vmem>>, vector<16xf32>,
      %parallel_loop3A_116 = arith.constant 16 : i32
      %parallel_loop3A_117 = arith.muli %parallel_loop3A_63, %parallel_loop3A_116 : i32
      %parallel_loop3A_118 = arith.constant 4 : i32
      %parallel_loop3A_119 = arith.index_cast %parallel_loop3A_118 : i32 to index
      %parallel_loop3A_120 = arith.index_cast %parallel_loop3A_117 : i32 to index
      %parallel_loop3A_121 = tpu.vector_load %arg9[%parallel_loop3A_119, %parallel_loop3A_120] {strides = array<i32>} : memref<8x2048xf32, #tpu.memory_space<vmem>>, vector<16xf32>,
      tpu.vector_store %arg9[%parallel_loop3A_119, %parallel_loop3A_120], %parallel_loop3A_82 {strides = array<i32>} : memref<8x2048xf32, #tpu.memory_space<vmem>>, vector<16xf32>,
      %parallel_loop3A_122 = arith.constant 16 : i32
      %parallel_loop3A_123 = arith.muli %parallel_loop3A_63, %parallel_loop3A_122 : i32
      %parallel_loop3A_124 = arith.constant 5 : i32
      %parallel_loop3A_125 = arith.index_cast %parallel_loop3A_124 : i32 to index
      %parallel_loop3A_126 = arith.index_cast %parallel_loop3A_123 : i32 to index
      %parallel_loop3A_127 = tpu.vector_load %arg9[%parallel_loop3A_125, %parallel_loop3A_126] {strides = array<i32>} : memref<8x2048xf32, #tpu.memory_space<vmem>>, vector<16xf32>,
      tpu.vector_store %arg9[%parallel_loop3A_125, %parallel_loop3A_126], %parallel_loop3A_85 {strides = array<i32>} : memref<8x2048xf32, #tpu.memory_space<vmem>>, vector<16xf32>,
      %parallel_loop3A_128 = arith.constant 16 : i32
      %parallel_loop3A_129 = arith.muli %parallel_loop3A_63, %parallel_loop3A_128 : i32
      %parallel_loop3A_130 = arith.constant 6 : i32
      %parallel_loop3A_131 = arith.index_cast %parallel_loop3A_130 : i32 to index
      %parallel_loop3A_132 = arith.index_cast %parallel_loop3A_129 : i32 to index
      %parallel_loop3A_133 = tpu.vector_load %arg9[%parallel_loop3A_131, %parallel_loop3A_132] {strides = array<i32>} : memref<8x2048xf32, #tpu.memory_space<vmem>>, vector<16xf32>,
      tpu.vector_store %arg9[%parallel_loop3A_131, %parallel_loop3A_132], %parallel_loop3A_88 {strides = array<i32>} : memref<8x2048xf32, #tpu.memory_space<vmem>>, vector<16xf32>,
      %parallel_loop3A_134 = arith.constant 16 : i32
      %parallel_loop3A_135 = arith.muli %parallel_loop3A_63, %parallel_loop3A_134 : i32
      %parallel_loop3A_136 = arith.constant 7 : i32
      %parallel_loop3A_137 = arith.index_cast %parallel_loop3A_136 : i32 to index
      %parallel_loop3A_138 = arith.index_cast %parallel_loop3A_135 : i32 to index
      %parallel_loop3A_139 = tpu.vector_load %arg9[%parallel_loop3A_137, %parallel_loop3A_138] {strides = array<i32>} : memref<8x2048xf32, #tpu.memory_space<vmem>>, vector<16xf32>,
      tpu.vector_store %arg9[%parallel_loop3A_137, %parallel_loop3A_138], %parallel_loop3A_91 {strides = array<i32>} : memref<8x2048xf32, #tpu.memory_space<vmem>>, vector<16xf32>,
    } {sc.loop_unroll_factor = 4 : i64, sc.parallel_access}
    %add3A_39 = arith.constant 504 : i32
    %add3A_40 = arith.addi %mul3A_2, %add3A_39 : i32
    %dma_start3A_41 = arith.constant 0 : i32
    %dma_start3A_42 = tpu.memref_slice %arg4[%add3A_40, %dma_start3A_41] : memref<16384x2048xf32, #tpu.memory_space<hbm>> -> memref<8x2048xf32, #tpu.memory_space<hbm>>
    %dma_start3A_43 = arith.constant 0 : i32
    %dma_start3A_44 = tpu.memref_slice %arg4[%add3A_40, %dma_start3A_43] : memref<16384x2048xf32, #tpu.memory_space<hbm>> -> memref<8x2048xf32, #tpu.memory_space<hbm>>
    tpu.enqueue_dma source(%arg9 : memref<8x2048xf32, #tpu.memory_space<vmem>>) target(%dma_start3A_44 : memref<8x2048xf32, #tpu.memory_space<hbm>>) target_semaphore(%arg15 : memref<!tpu.dma_semaphore, #tpu.memory_space<semaphore_mem>>)
    %add3A_45 = arith.constant 488 : i32
    %add3A_46 = arith.addi %mul3A_2, %add3A_45 : i32
    %dma_wait3A_47 = arith.constant 0 : i32
    %dma_wait3A_48 = tpu.memref_slice %arg4[%add3A_46, %dma_wait3A_47] : memref<16384x2048xf32, #tpu.memory_space<hbm>> -> memref<8x2048xf32, #tpu.memory_space<hbm>>
    %dma_wait3A_49 = arith.constant 0 : i32
    %dma_wait3A_50 = tpu.memref_slice %arg4[%add3A_46, %dma_wait3A_49] : memref<16384x2048xf32, #tpu.memory_space<hbm>> -> memref<8x2048xf32, #tpu.memory_space<hbm>>
    tpu.wait_dma2 semaphore(%arg16 : memref<!tpu.dma_semaphore, #tpu.memory_space<semaphore_mem>>) src(%arg10 : memref<8x2048xf32, #tpu.memory_space<vmem>>) dst(%dma_wait3A_50 : memref<8x2048xf32, #tpu.memory_space<hbm>>)
    %add3A_51 = arith.constant 496 : i32
    %add3A_52 = arith.addi %mul3A_2, %add3A_51 : i32
    %dma_wait3A_53 = arith.constant 0 : i32
    %dma_wait3A_54 = tpu.memref_slice %arg4[%add3A_52, %dma_wait3A_53] : memref<16384x2048xf32, #tpu.memory_space<hbm>> -> memref<8x2048xf32, #tpu.memory_space<hbm>>
    %dma_wait3A_55 = arith.constant 0 : i32
    %dma_wait3A_56 = tpu.memref_slice %arg4[%add3A_52, %dma_wait3A_55] : memref<16384x2048xf32, #tpu.memory_space<hbm>> -> memref<8x2048xf32, #tpu.memory_space<hbm>>
    tpu.wait_dma2 semaphore(%arg17 : memref<!tpu.dma_semaphore, #tpu.memory_space<semaphore_mem>>) src(%arg11 : memref<8x2048xf32, #tpu.memory_space<vmem>>) dst(%dma_wait3A_56 : memref<8x2048xf32, #tpu.memory_space<hbm>>)
    %add3A_57 = arith.constant 504 : i32
    %add3A_58 = arith.addi %mul3A_2, %add3A_57 : i32
    %dma_wait3A_59 = arith.constant 0 : i32
    %dma_wait3A_60 = tpu.memref_slice %arg4[%add3A_58, %dma_wait3A_59] : memref<16384x2048xf32, #tpu.memory_space<hbm>> -> memref<8x2048xf32, #tpu.memory_space<hbm>>
    %dma_wait3A_61 = arith.constant 0 : i32
    %dma_wait3A_62 = tpu.memref_slice %arg4[%add3A_58, %dma_wait3A_61] : memref<16384x2048xf32, #tpu.memory_space<hbm>> -> memref<8x2048xf32, #tpu.memory_space<hbm>>
    tpu.wait_dma2 semaphore(%arg15 : memref<!tpu.dma_semaphore, #tpu.memory_space<semaphore_mem>>) src(%arg9 : memref<8x2048xf32, #tpu.memory_space<vmem>>) dst(%dma_wait3A_62 : memref<8x2048xf32, #tpu.memory_space<hbm>>)
    return
  }
}

</mosaic_0001>

<sc_bundles>
// kernel: kernel.3.cloned.1.call-start
scs
__scs_entry_jumppad:
0x0: {  	(pc) =	sbr.rel $0x88, $3  }
0x1: {  	(tag) =	ssettag $0x0;
	lr =	simm.s32 $0x1  }
0x2: {  	[smem:$0x3F9F] =	sst lr;
	_ =	strace $0xD0000000  }
0x3: {  	_ = 	snop  }
0x4: {  	_ = 	snop  }
0x5: {  	_ = 	snop  }
0x6: {  	_ = 	snop  }
0x7: {  	_ = 	snop  }
__scs_overlays_trampoline_lowered:
0x8: {  	[smem:$0x3FAE] =	sst s0  }
0x9: {  	[smem:$0x3FAF] =	sst s1  }
0xa: {  	[smem:$0x3FB0] =	sst s2  }
0xb: {  	[smem:$0x3FB1] =	sst s3  }
0xc: {  	[smem:$0x3FB2] =	sst s4  }
0xd: {  	[smem:$0x3FB3] =	sst s5  }
0xe: {  	[smem:$0x3FB4] =	sst s6  }
0xf: {  	[smem:$0x3FB5] =	sst s7  }
0x10: {  	[smem:$0x3FB6] =	sst s8  }
0x11: {  	[smem:$0x3FB7] =	sst s9;
	s0 =	simm.s32 @!p0 $0x0  }
0x12: {  	s1 =	sld [smem:$0x3F9D];
	s0 =	simm.s32 @p0 $0x1  }
0x13: {  	[smem:$0x3FB8] =	sst s0;
	s0 =	simm.s32 @!p1 $0x0  }
0x14: {  	s2 =	sld [smem:$0x3F9C];
	s0 =	simm.s32 @p1 $0x1  }
0x15: {  	[smem:$0x3FB9] =	sst s0;
	s0 =	simm.s32 @!p2 $0x0  }
0x16: {  	s3 =	sld [smem:$0x3FDB];
	s0 =	simm.s32 @p2 $0x1  }
0x17: {  	s4 =	simm.s32 $0x1BF5;
	[smem:$0x3FBB] =	sst s0  }
0x18: {  	s0 =	sld [smem:$0x3F9E];
	_ =	swait.ge [sflag:s4], $0x0  }
0x19: {  	s7 =	sld [smem:$0x3F9F]  }
0x1a: {  	s8 =	sadd.s32 $0xFFFFE003, lr  }
0x1b: {  	s9 =	sadd.s32 $0xFFFFFEF7, lr;
	s5 =	simm.s32 $0xFFFFFFFF;
	p2 =	slt.u32 s8, $0xFFFFF086  }
0x1c: {  	p1 =	slt.u32 s9, $0xF7A;
	s5 =	simm.s32 @!p2 $0x0  }
0x1d: {  	s5 =	simm.s32 @p1 $0x1;
	p0 =	seq.s32 s7, s2  }
0x1e: {  	s7 =	smul.u32 @!p0 $0xF7A, s2;
	p2 =	seq.s32 @!p0 s5, $0x0  }
0x1f: {  	s9 =	smul.u32 $0xF7A, s1;
	s8 =	simm.s32 @!p0 $0x1BF5;
	p2 =	por !p2, p0  }
0x20: {  	[sflag:s8] =	ssyncset.s32 @!p0 $0xFFFFF086;
	s6 =	sadd.s32 @!p0 s3, s7;
	s7 =	simm.s32 @!p0 $0x108  }
0x21: {  	s3 =	sadd.s32 s3, s9;
	s6 =	sadd.s32 @!p0 $0x88, s6;
	s7 =	simm.s32 @p2 $0x1082  }
0x22: {  	[simem:s7], [sflag:s8] =	dma.local @!p0 [hbm:s6], $0xF7A  }
0x23: {  	s9 =	sor.u32 $0xD0000000, s2;
	s6 =	simm.s32 $0x108;
	_ =	swait.ge @!p0 [sflag:s8], $0x0  }
0x24: {  	s3 =	sadd.s32 $0x88, s3;
	s6 =	simm.s32 @!p1 $0x1082;
	[sflag:s4] =	ssyncset.s32 $0xFFFFF086  }
0x25: {  	[simem:s6], [sflag:s4] =	dma.local [hbm:s3], $0xF7A  }
0x26: {  	[smem:$0x3F9F] =	sst s1;
	(tag) =	ssettag s2;
	_ =	strace s9  }
0x27: {  	s1 =	sld [smem:$0x3FAF]  }
0x28: {  	s2 =	sld [smem:$0x3FB0]  }
0x29: {  	s4 =	sld [smem:$0x3FB2]  }
0x2a: {  	p0 =	seq.s32 s5, $0x0;
	s5 =	sld [smem:$0x3FB3]  }
0x2b: {  	s6 =	sld [smem:$0x3FB4]  }
0x2c: {  	s7 =	sld [smem:$0x3FB5]  }
0x2d: {  	s3 =	simm.s32 $0x108;
	s8 =	sld [smem:$0x3FB6]  }
0x2e: {  	s3 =	simm.s32 @!p0 $0x1082;
	s9 =	sld [smem:$0x3FB7]  }
0x2f: {  	lr =	sadd.s32 s0, s3;
	s0 =	sld [smem:$0x3FAE]  }
0x30: {  	s3 =	sld [smem:$0x3FB1]  }
0x31: {  	[smem:$0x3FBA] =	sst s10  }
0x32: {  	s10 =	sld [smem:$0x3FB8];
	_ =	sdelay $0x3  }
0x33: {  	p0 =	seq.s32 s10, $0x1;
	s10 =	sld [smem:$0x3FBA];
	_ =	sdelay $0x3  }
0x34: {  	[smem:$0x3FBA] =	sst s10  }
0x35: {  	s10 =	sld [smem:$0x3FB9];
	_ =	sdelay $0x3  }
0x36: {  	p1 =	seq.s32 s10, $0x1;
	s10 =	sld [smem:$0x3FBA];
	_ =	sdelay $0x3  }
0x37: {  	[smem:$0x3FBA] =	sst s10  }
0x38: {  	s10 =	sld [smem:$0x3FBB]  }
0x39: {  	_ = 	snop;
	(pc) =	sbr.ind lr, $3  }
0x3a: {  	_ = 	snop  }
0x3b: {  	_ = 	snop  }
0x3c: {  	p2 =	seq.s32 s10, $0x1;
	s10 =	sld [smem:$0x3FBA]  }
0x3d: {  	_ =	shalt  }
0x3e: {  	_ =	shalt  }
0x3f: {  	_ =	shalt  }
0x40: {  	_ =	shalt  }
0x41: {  	_ =	shalt  }
0x42: {  	_ =	shalt  }
0x43: {  	_ =	shalt  }
0x44: {  	_ =	shalt  }
0x45: {  	_ =	shalt  }
0x46: {  	_ =	shalt  }
0x47: {  	_ =	shalt  }
0x48: {  	_ =	shalt  }
0x49: {  	_ =	shalt  }
0x4a: {  	_ =	shalt  }
0x4b: {  	_ =	shalt  }
0x4c: {  	_ =	shalt  }
0x4d: {  	_ =	shalt  }
0x4e: {  	_ =	shalt  }
0x4f: {  	_ =	shalt  }
0x50: {  	_ =	shalt  }
0x51: {  	_ =	shalt  }
0x52: {  	_ =	shalt  }
0x53: {  	_ =	shalt  }
0x54: {  	_ =	shalt  }
0x55: {  	_ =	shalt  }
0x56: {  	_ =	shalt  }
0x57: {  	_ =	shalt  }
0x58: {  	_ =	shalt  }
0x59: {  	_ =	shalt  }
0x5a: {  	_ =	shalt  }
0x5b: {  	_ =	shalt  }
0x5c: {  	_ =	shalt  }
0x5d: {  	_ =	shalt  }
0x5e: {  	_ =	shalt  }
0x5f: {  	_ =	shalt  }
0x60: {  	_ =	shalt  }
0x61: {  	_ =	shalt  }
0x62: {  	_ =	shalt  }
0x63: {  	_ =	shalt  }
0x64: {  	_ =	shalt  }
0x65: {  	_ =	shalt  }
0x66: {  	_ =	shalt  }
0x67: {  	_ =	shalt  }
0x68: {  	_ =	shalt  }
0x69: {  	_ =	shalt  }
0x6a: {  	_ =	shalt  }
0x6b: {  	_ =	shalt  }
0x6c: {  	_ =	shalt  }
0x6d: {  	_ =	shalt  }
0x6e: {  	_ =	shalt  }
0x6f: {  	_ =	shalt  }
0x70: {  	_ =	shalt  }
0x71: {  	_ =	shalt  }
0x72: {  	_ =	shalt  }
0x73: {  	_ =	shalt  }
0x74: {  	_ =	shalt  }
0x75: {  	_ =	shalt  }
0x76: {  	_ =	shalt  }
0x77: {  	_ =	shalt  }
0x78: {  	_ =	shalt  }
0x79: {  	_ =	shalt  }
0x7a: {  	_ =	shalt  }
0x7b: {  	_ =	shalt  }
0x7c: {  	_ =	shalt  }
0x7d: {  	_ =	shalt  }
0x7e: {  	_ =	shalt  }
0x7f: {  	_ =	shalt  }
0x80: {  	_ =	shalt  }
0x81: {  	_ =	shalt  }
0x82: {  	_ =	shalt  }
0x83: {  	_ =	shalt  }
0x84: {  	_ =	shalt  }
0x85: {  	_ =	shalt  }
0x86: {  	_ =	shalt  }
0x87: {  	_ =	shalt  }
.Lfunc_end0:
.L_simem_size_0:
called_computation_lowered:
.L_overlay_start_0:
0x88: {  	s2 =	sld [smem:$0x3FD9]  }
0x89: {  	s3 =	sld [smem:$0x3FFE];
	_ =	sdelay $0x1  }
0x8a: {  	s1 =	srdreg.scid  }
0x8b: {  	s0 =	sand.u32 $0x1, s1  }
0x8c: {  	s18 =	sshll.u32 s0, $0xA;
	s2 =	sadd.s32 s3, s2  }
0x8d: {  	s2 =	sadd.s32 s2, s18  }
0x8e: {  	[smem:$0x3FC6] =	sst s2  }
0x8f: {  	_ = 	snop  }
0x90: {  	s2 =	sld [smem:$0x3FC9]  }
0x91: {  	s19 =	sld [smem:$0x3FC8]  }
0x92: {  	s4 =	sld [smem:$0x3FD0];
	(tm) =	ssettm $0x1  }
0x93: {  	s5 =	sld [smem:$0x3FFB];
	_ =	sdelay $0x3  }
0x94: {  	_ =	strace s5  }
0x95: {  	s5 =	sld [smem:$0x3FFC];
	_ =	sdelay $0x3  }
0x96: {  	_ =	strace s5  }
0x97: {  	s5 =	sld [smem:$0x3FFD];
	_ =	sdelay $0x3  }
0x98: {  	_ =	strace s5  }
0x99: {  	_ =	strace $0x8FFFFFFF  }
0x9a: {  	s20 =	sld [smem:$0x3FDB];
	_ =	sdelay $0x1  }
0x9b: {  	s6 =	simm.s32 $_scs_section_size  }
0x9c: {  	s7 =	simm.s32 $_size__tile_overlayer_lowered;
	s8 =	simm.s32 $_tile_overlayer_lowered  }
0x9d: {  	s23 =	simm.s32 $0x1BFF;
	s22 =	sshll.u32 s8, $0x1;
	s5 =	sadd.s32 s6, s20  }
0x9e: {  	s9 =	simm.s32 $0x0;
	s21 =	sshll.u32 s7, $0x1;
	s7 =	sadd.s32 s22, s5  }
0x9f: {  	[timem:s9], [sflag:s23] =	dma.local [hbm:s7], s21  }
0xa0: {  	_ =	swait.ge [sflag:s23], s21  }
0xa1: {  	s6 =	ssub.s32 $0x0, s21;
	[sflag:s23] =	ssyncset.done $0x0  }
0xa2: {  	[sflag:s23] =	ssyncadd.s32 s6;
	_ =	sdelay $0x1  }
0xa3: {  	s24 =	simm.s32 $0x1B8B  }
0xa4: {  	_ =	swait.ge [sflag:s24], $0x1  }
0xa5: {  	[sflag:s24] =	ssyncset.done $0x0  }
0xa6: {  	s25 =	simm.s32 $0x1B8E;
	[sflag:s24] =	ssyncadd.s32 $0xFFFFFFFF  }
0xa7: {  	s26 =	simm.s32 $execute0_lowered;
	[smem:$0x3FD2] =	sst s25  }
0xa8: {  	s6 =	sshll.u32 s26, $0x1;
	_ =	strace $0x80000046;
	[dreg:$0x1] =	wrdreg $0xFFFFFFFF  }
0xa9: {  	s28 =	simm.s32 $_size_execute0_lowered;
	s5 =	sadd.s32 s5, s6;
	[dreg:$0x0] =	wrdreg $0x0  }
0xaa: {  	s6 =	sshll.u32 s28, $0x1;
	[dreg:$0x2] =	wrdreg s5  }
0xab: {  	[dreg:$0x3] =	wrdreg s6  }
0xac: {  	[dreg:$0x4] =	wrdreg $0xC0  }
0xad: {  	_ =	task [dreg:s9], $0x5FFFF  }
0xae: {  	[dreg:$0x1] =	wrdreg $0xFFFFFFFF  }
0xaf: {  	[dreg:$0x0] =	wrdreg $0x60  }
0xb0: {  	[dreg:$0x2] =	wrdreg s2  }
0xb1: {  	[dreg:$0x3] =	wrdreg s19  }
0xb2: {  	[dreg:$0x4] =	wrdreg s4  }
0xb3: {  	[dreg:$0x5] =	wrdreg $0x9  }
0xb4: {  	_ =	task.clear_ibuf [dreg:s9], $0x6FFFF;
	_ =	strace $0x90000046  }
0xb5: {  	s29 =	simm.s32 $0x9;
	_ =	strace $0x80000048  }
0xb6: {  	_ =	swait.ge [sflag:s29], $0x1  }
0xb7: {  	[sflag:s29] =	ssyncadd.s32 $0xFFFFFFFF  }
0xb8: {  	_ =	strace $0x90000048  }
0xb9: {  	_ =	sfence  }
0xba: {  	s30 =	sld [smem:$0x0];
	_ =	sdelay $0x2  }
0xbb: {  	s31 =	sshll.u32 s1, $0xD;
	s1 =	sshrl.u32 s1, $0x2  }
0xbc: {  	s3 =	sand.u32 $0x4000, s31;
	s1 =	sadd.s32 s1, s30  }
0xbd: {  	s0 =	sor.u32 s3, s0;
	s1 =	sshll.u32 s1, $0x11  }
0xbe: {  	s0 =	sor.u32 s1, s0  }
0xbf: {  	s0 =	sadd.s32 $0x8F2B, s0  }
0xc0: {  	[sflag:s0] =	ssyncadd.remote.s32 $0x1  }
0xc1: {  	_ =	sfence.sel $0xFFFF  }
0xc2: {  	[dreg:$0x0] =	wrdreg $0xFFFFFFFF;
	(pc) =	sbr.abs _section_cstart, $3  }
0xc3: {  	[dreg:$0x1] =	wrdreg $0xFFFFFFFF  }
0xc4: {  	_ =	task.clear_ibuf [dreg:s9], $0x2FFFF;
	_ =	strace $0x9FFFFFFF  }
0xc5: {  	(tm) =	ssettm $0x7FFFFFFF  }
tec
execute0_lowered:
.L_overlay_start_1:
0x0: {  	(tag) =	ssettag $0x1  }
0x1: {  	s1 =	rddreg [dreg:$0x0]  }
0x2: {  	s4 =	rddreg [dreg:$0x2];
	s0 =	srdreg.scid  }
0x3: {  	s2 =	stileid.u32;
	s5 =	simm.s32 $0x0;
	s0 =	sand.u32 $0x1, s0  }
0x4: {  	s2 =	sshll.u32 s2, $0xA;
	[smem:$0x7FF] =	sst s5;
	s3 =	sshll.u32 s0, $0x9  }
0x5: {  	s17 =	simm.s32 $0x800;
	_ =	strace $0x80000047;
	s6 =	sor.u32 s3, s2  }
0x6: {  	s3 =	sshll.u32 s6, $0x8;
	s26 =	sshrl.u32 s6, $0x3;
	s29 =	sor.u32 $0x8, s6  }
0x7: {  	s13 =	smov.u32 s6;
	s6 =	sor.u32 $0x10, s6;
	[dreg:$0x8] =	wrdreg s29  }
0x8: {  	s18 =	simm.s32 $0x4800;
	s7 =	sadd.s32 s1, s3;
	[dreg:$0xa] =	wrdreg s6  }
0x9: {  	s0 =	ssub.s32 $0x2, s0;
	s28 =	sor.u32 $0x3, s26;
	[dreg:$0x4] =	wrdreg s7  }
0xa: {  	s25 =	sshrl.u32 s0, $0x1;
	s30 =	sor.u32 $0x4, s26;
	[dreg:$0x7] =	wrdreg s28  }
0xb: {  	s0 =	ssub.s32 s0, s25;
	s2 =	sor.u32 $0x5, s26;
	[dreg:$0x9] =	wrdreg s30  }
0xc: {  	s19 =	simm.s32 $0x8800;
	s0 =	smax.u32 s0, $0x1;
	[dreg:$0xb] =	wrdreg s2  }
0xd: {  	s21 =	simm.s32 $0x1;
	s8 =	sadd.s32 $0x800, s7;
	[dreg:$0xd] =	wrdreg s0  }
0xe: {  	s3 =	sadd.s32 s3, s4;
	s7 =	sadd.s32 $0x1000, s7;
	[dreg:$0x5] =	wrdreg s8  }
0xf: {  	s23 =	simm.s32 $0x2;
	s31 =	sadd.s32 $0x1F800, s3;
	[dreg:$0x6] =	wrdreg s7  }
0x10: {  	s25 =	simm.s32 $0x3;
	s2 =	simm.s32 $0x0;
	[dreg:$0xc] =	wrdreg s31  }
.LBB2_1:
0x11: {  	[dreg:$0xe] =	wrdreg s2  }
0x12: {  	s0 =	rddreg [dreg:$0x4]  }
0x13: {  	[tilespmem:s17], [sflag:$0x1] =	stream.linear.gather [hbm4b:s0+s5], $0x4000, $0x38;
	[tilespmem:$0x18800] =	vst v63  }
0x14: {  	s28 =	rddreg [dreg:$0x5]  }
0x15: {  	[tilespmem:s18], [sflag:$0x2] =	stream.linear.gather [hbm4b:s28+s5], $0x4000, $0x38;
	[tilespmem:$0x18800] =	vst v63  }
0x16: {  	s29 =	rddreg [dreg:$0x6]  }
0x17: {  	[tilespmem:s19], [sflag:$0x3] =	stream.linear.gather [hbm4b:s29+s5], $0x4000, $0x38;
	[tilespmem:$0x18800] =	vst v63  }
0x18: {  	s30 =	rddreg [dreg:$0x1];
	s31 =	simm.s32 $0x7  }
0x19: {  	[tilespmem:s5], [sflag:$0x7] =	stream.linear.gather [hbm4b:s30+s5], $0x800, $0x38;
	[tilespmem:$0x18800] =	vst v63  }
0x1a: {  	_ =	swait.ge [sflag:s31], $0x800  }
0x1b: {  	[sflag:s31] =	ssyncset.done $0x0  }
0x1c: {  	s0 =	simm.s32 $0x0;
	[sflag:s31] =	ssyncadd.s32 $0xFFFFF800  }
.LBB2_2:
0x1d: {  	_ =	swait.ge [sflag:s21], $0x4000  }
0x1e: {  	p0 =	seq.s32 s0, $0x0;
	[sflag:s21] =	ssyncset.done $0x0  }
0x1f: {  	s8 =	simm.s32 $0x0;
	s2 =	simm.s32 @!p0 $0x4;
	[sflag:s21] =	ssyncadd.s32 $0xFFFFC000  }
0x20: {  	s7 =	sand.u32 $0x40, s8;
	_ =	swait.ge @!p0 [sflag:s2], $0x4000  }
0x21: {  	s3 =	sand.u32 $0x780, s8;
	s16 =	sor.u32 $0x10, s7;
	[sflag:s2] =	ssyncset.done @!p0 $0x0  }
0x22: {  	s22 =	sor.u32 s16, s3;
	[sflag:s2] =	ssyncadd.s32 @!p0 $0xFFFFC000  }
0x23: {  	v0 =	vld [tilespmem:s22+$0x0];
	_ =	sdelay $0x1  }
0x24: {  	s20 =	sor.u32 $0x30, s7  }
0x25: {  	s24 =	sor.u32 s20, s3  }
0x26: {  	v1 =	vld [tilespmem:s24+$0x0]  }
0x27: {  	v2 =	vshll.u32 v0, $0x3  }
0x28: {  	v0 =	vand.u32 $0x7F, v0;
	v2 =	vand.u32 $0xFFFFFC00, v2  }
0x29: {  	v17 =	vor.u32 v0, v2  }
0x2a: {  	s9 =	sor.u32 $0x20, s7;
	v2 =	vor.u32 $0x200, v17  }
0x2b: {  	s26 =	sor.u32 s9, s3;
	v0 =	vshll.u32 v1, $0x3;
	v3 =	vor.u32 $0x300, v17  }
0x2c: {  	v12 =	vld [tilespmem:s26+$0x0];
	v1 =	vand.u32 $0x7F, v1;
	v0 =	vand.u32 $0xFFFFFC00, v0;
	v6 =	vor.u32 $0x280, v17  }
0x2d: {  	v8 =	vor.u32 $0x100, v17;
	v19 =	vor.u32 v1, v0;
	v1 =	vld [tilespmem:s8+$0x0]  }
0x2e: {  	v23 =	vor.u32 $0x80, v17;
	v10 =	vld.idx.msk [tilespmem:v17+s17+$0x0], $0xffff  }
0x2f: {  	v0 =	vor.u32 $0x80, v19;
	v4 =	vld.idx.msk [tilespmem:v2+s17+$0x0], $0xffff  }
0x30: {  	v5 =	vld.idx.msk [tilespmem:v3+s17+$0x0], $0xffff  }
0x31: {  	v18 =	vor.u32 $0x100, v19;
	v7 =	vld.idx.msk [tilespmem:v6+s17+$0x0], $0xffff  }
0x32: {  	v2 =	vor.u32 $0x380, v19;
	v16 =	vld.idx.msk [tilespmem:v8+s17+$0x0], $0xffff  }
0x33: {  	v9 =	vor.u32 $0x300, v19;
	v25 =	vld.idx.msk [tilespmem:v23+s17+$0x0], $0xffff  }
0x34: {  	v3 =	vor.u32 $0x280, v19;
	v14 =	vld.idx.msk [tilespmem:v0+s17+$0x0], $0xffff;
	v0 =	vshll.u32 v1, $0x3  }
0x35: {  	v6 =	vor.u32 $0x200, v19;
	v15 =	vld.idx.msk [tilespmem:v19+s17+$0x0], $0xffff;
	v1 =	vand.u32 $0x7F, v1;
	v11 =	vand.u32 $0xFFFFFC00, v0  }
0x36: {  	v13 =	vor.u32 $0x380, v17;
	v24 =	vld.idx.msk [tilespmem:v18+s17+$0x0], $0xffff;
	v22 =	vor.u32 v1, v11  }
0x37: {  	v0 =	vld.idx.msk [tilespmem:v2+s17+$0x0], $0xffff;
	v1 =	vor.u32 $0x380, v22  }
0x38: {  	v2 =	vld.idx.msk [tilespmem:v9+s17+$0x0], $0xffff;
	v9 =	vor.u32 $0x100, v22  }
0x39: {  	v3 =	vld.idx.msk [tilespmem:v3+s17+$0x0], $0xffff;
	v20 =	vor.u32 $0x280, v22  }
0x3a: {  	v8 =	vor.u32 $0x200, v22;
	v11 =	vld.idx.msk [tilespmem:v6+s17+$0x0], $0xffff  }
0x3b: {  	v6 =	vld.idx.msk [tilespmem:v13+s17+$0x0], $0xffff;
	v21 =	vor.u32 $0x300, v22  }
0x3c: {  	v18 =	vor.u32 $0x180, v22;
	v1 =	vld.idx.msk [tilespmem:v1+s17+$0x0], $0xffff  }
0x3d: {  	v26 =	vor.u32 $0x80, v22;
	v27 =	vld.idx.msk [tilespmem:v9+s17+$0x0], $0xffff  }
0x3e: {  	v9 =	vld.idx.msk [tilespmem:v20+s17+$0x0], $0xffff;
	v20 =	vshll.u32 v12, $0x3  }
0x3f: {  	p2 =	por $0x0, $0x0;
	s29 =	simm.s32 $0x0;
	s30 =	simm.s32 $0x40;
	v23 =	vor.u32 $0x180, v17;
	v13 =	vld.idx.msk [tilespmem:v8+s17+$0x0], $0xffff;
	v12 =	vand.u32 $0x7F, v12;
	v20 =	vand.u32 $0xFFFFFC00, v20  }
0x40: {  	s28 =	simm.s32 $0x200;
	s31 =	simm.s32 $0x40;
	s3 =	smul.u32 $0x18, s0;
	v8 =	vld.idx.msk [tilespmem:v21+s17+$0x0], $0xffff;
	v12 =	vor.u32 v12, v20;
	v20 =	vor.u32 $0x180, v19  }
0x41: {  	p1 =	por p2, p2;
	s6 =	sand.u32 $0x3C00, s8;
	p2 =	por !p2, !p2;
	v18 =	vld.idx.msk [tilespmem:v18+s17+$0x0], $0xffff  }
0x42: {  	s2 =	smul.u32 $0x3, s0;
	s15 =	sadd.s32 s13, s3;
	s24 =	sadd.s32 $0xC800, s6;
	v26 =	vld.idx.msk [tilespmem:v26+s17+$0x0], $0xffff  }
.LBB2_3:
0x43: {  	s29 =	sadd.s32 $0x4, s29;
	v19 =	vld.idx.msk [tilespmem:v22+s17+$0x0], $0xffff;
	s14 =	sor.u32 s7, s24;
	s7 =	sand.u32 $0x40, s31  }
0x44: {  	s10 =	sand.u32 $0x780, s31;
	v17 =	vor.u32 $0x380, v12;
	s26 =	sor.u32 $0x10, s7;
	s11 =	sor.u32 $0x30, s7;
	[tilespmem:s14+$0x100] =	vst v27;
	v22 =	vld.idx.msk [tilespmem:v23+s17+$0x0], $0xffff  }
0x45: {  	v21 =	vor.u32 $0x300, v12;
	s6 =	sor.u32 s20, s24;
	s22 =	sor.u32 $0x20, s7;
	s12 =	sor.u32 s26, s10;
	v20 =	vld.idx.msk [tilespmem:v20+s17+$0x0], $0xffff  }
0x46: {  	p3 =	slt.u32 s29, $0x7C;
	v27 =	vor.u32 $0x280, v12;
	v23 =	vld [tilespmem:s12+$0x0];
	s12 =	sor.u32 s22, s10;
	s10 =	sor.u32 s11, s10  }
0x47: {  	v29 =	vor.u32 $0x200, v12;
	s20 =	smov.u32 s11;
	v28 =	vld [tilespmem:s12+$0x0];
	[tilespmem:s6+$0x0] =	vst v15  }
0x48: {  	v15 =	vld [tilespmem:s10+$0x0];
	[tilespmem:s6+$0x80] =	vst v14  }
0x49: {  	v14 =	vor.u32 $0x100, v12;
	v17 =	vld.idx.msk [tilespmem:v17+s17+$0x0], $0xffff;
	[tilespmem:s6+$0x100] =	vst v24  }
0x4a: {  	s10 =	sor.u32 s16, s24;
	s16 =	smov.u32 s26;
	v24 =	vor.u32 $0x80, v12;
	[tilespmem:s14+$0x0] =	vst v19;
	v19 =	vld.idx.msk [tilespmem:v21+s17+$0x0], $0xffff  }
0x4b: {  	v30 =	vshll.u32 v23, $0x3;
	[tilespmem:s10+$0x100] =	vst v16;
	v16 =	vor.u32 $0x180, v12;
	v21 =	vld.idx.msk [tilespmem:v27+s17+$0x0], $0xffff  }
0x4c: {  	v23 =	vand.u32 $0x7F, v23;
	v27 =	vand.u32 $0xFFFFFC00, v30;
	v30 =	vshll.u32 v28, $0x3;
	[tilespmem:s10+$0x0] =	vst v10;
	v29 =	vld.idx.msk [tilespmem:v29+s17+$0x0], $0xffff  }
0x4d: {  	s11 =	simm.s32 $0x1;
	v23 =	vor.u32 v23, v27;
	v10 =	vand.u32 $0x7F, v15;
	v15 =	vshll.u32 v15, $0x3;
	[tilespmem:s14+$0x80] =	vst v26;
	v26 =	vld.idx.msk [tilespmem:v12+s17+$0x0], $0xffff  }
0x4e: {  	s11 =	simm.s32 @!p1 $0x0;
	p1 =	por p2, p2;
	v12 =	vand.u32 $0xFFFFFC00, v30;
	v27 =	vor.u32 $0x200, v23;
	v15 =	vand.u32 $0xFFFFFC00, v15;
	[tilespmem:s10+$0x80] =	vst v25;
	v25 =	vld.idx.msk [tilespmem:v14+s17+$0x0], $0xffff  }
0x4f: {  	s11 =	sshll.u32 s11, $0x6;
	v30 =	vor.u32 $0x80, v23;
	v14 =	vand.u32 $0x7F, v28;
	v28 =	vor.u32 v10, v15;
	[tilespmem:s10+$0x180] =	vst v22;
	v22 =	vld.idx.msk [tilespmem:v24+s17+$0x0], $0xffff  }
0x50: {  	s26 =	sadd.s32 s11, s8;
	s8 =	smov.u32 s28;
	v31 =	vor.u32 $0x280, v23;
	v32 =	vor.u32 $0x380, v23;
	v24 =	vld [tilespmem:s30+$0x0];
	v33 =	vor.u32 $0x80, v28;
	[tilespmem:s6+$0x180] =	vst v20  }
0x51: {  	s11 =	sadd.s32 $0x10, s26;
	v34 =	vor.u32 $0x300, v23;
	v12 =	vor.u32 v14, v12;
	s10 =	sor.u32 $0x200, s26;
	v35 =	vor.u32 $0x100, v28;
	s6 =	sadd.s32 $0x30, s26;
	[tilespmem:s14+$0x180] =	vst v18;
	v18 =	vld.idx.msk [tilespmem:v16+s17+$0x0], $0xffff  }
0x52: {  	v20 =	vor.u32 $0x180, v28;
	s14 =	sadd.s32 $0x20, s26;
	v10 =	vld.idx.msk [tilespmem:v23+s17+$0x0], $0xffff;
	[tilespmem:s10+$0xC800] =	vst v13;
	s10 =	sor.u32 $0x200, s6  }
0x53: {  	s12 =	sor.u32 s9, s24;
	s9 =	smov.u32 s22;
	v16 =	vor.u32 $0x380, v28;
	v13 =	vor.u32 $0x100, v23;
	v27 =	vld.idx.msk [tilespmem:v27+s17+$0x0], $0xffff;
	[tilespmem:s10+$0xC800] =	vst v11  }
0x54: {  	v23 =	vor.u32 $0x180, v23;
	v15 =	vld.idx.msk [tilespmem:v28+s17+$0x0], $0xffff;
	[tilespmem:s12+$0x0] =	vst v26  }
0x55: {  	v26 =	vor.u32 $0x300, v28;
	v11 =	vshll.u32 v24, $0x3;
	v14 =	vld.idx.msk [tilespmem:v33+s17+$0x0], $0xffff;
	[tilespmem:s12+$0x80] =	vst v22  }
0x56: {  	s10 =	sor.u32 $0x200, s11;
	v22 =	vand.u32 $0x7F, v24;
	v33 =	vor.u32 $0x280, v28;
	v11 =	vand.u32 $0xFFFFFC00, v11;
	v24 =	vld.idx.msk [tilespmem:v34+s17+$0x0], $0xffff;
	[tilespmem:s12+$0x100] =	vst v25  }
0x57: {  	v22 =	vor.u32 v22, v11;
	v25 =	vld.idx.msk [tilespmem:v31+s17+$0x0], $0xffff;
	v11 =	vor.u32 $0x200, v28;
	[tilespmem:s10+$0xC800] =	vst v4;
	s10 =	sor.u32 $0x280, s11  }
0x58: {  	v28 =	vor.u32 $0x80, v22;
	v31 =	vor.u32 $0x180, v22;
	v34 =	vor.u32 $0x380, v22;
	v36 =	vld.idx.msk [tilespmem:v16+s17+$0x0], $0xffff;
	[tilespmem:s10+$0xC800] =	vst v7;
	s10 =	sor.u32 $0x300, s11  }
0x59: {  	v37 =	vor.u32 $0x100, v22;
	v38 =	vor.u32 $0x200, v22;
	v4 =	vmov v27;
	v16 =	vld.idx.msk [tilespmem:v13+s17+$0x0], $0xffff;
	[tilespmem:s10+$0xC800] =	vst v5;
	s10 =	sor.u32 $0x380, s11  }
0x5a: {  	v26 =	vld.idx.msk [tilespmem:v26+s17+$0x0], $0xffff;
	[tilespmem:s10+$0xC800] =	vst v6;
	s10 =	sor.u32 $0x280, s6  }
0x5b: {  	s11 =	sor.u32 $0x280, s26;
	[tilespmem:s10+$0xC800] =	vst v3;
	v3 =	vld.idx.msk [tilespmem:v33+s17+$0x0], $0xffff  }
0x5c: {  	v5 =	vmov v24;
	v11 =	vld.idx.msk [tilespmem:v11+s17+$0x0], $0xffff;
	[tilespmem:s11+$0xC800] =	vst v9  }
0x5d: {  	s10 =	sor.u32 $0x200, s14;
	v9 =	vor.u32 $0x280, v22;
	v7 =	vmov v25;
	v6 =	vld.idx.msk [tilespmem:v32+s17+$0x0], $0xffff;
	[tilespmem:s12+$0x180] =	vst v18  }
0x5e: {  	v18 =	vor.u32 $0x300, v22;
	v24 =	vld.idx.msk [tilespmem:v35+s17+$0x0], $0xffff;
	[tilespmem:s10+$0xC800] =	vst v29;
	s10 =	sor.u32 $0x300, s6  }
0x5f: {  	s11 =	sor.u32 $0x300, s26;
	v29 =	vld.idx.msk [tilespmem:v34+s17+$0x0], $0xffff;
	[tilespmem:s10+$0xC800] =	vst v2  }
0x60: {  	s6 =	sor.u32 $0x380, s6;
	v2 =	vmov v26;
	v13 =	vld.idx.msk [tilespmem:v38+s17+$0x0], $0xffff;
	[tilespmem:s11+$0xC800] =	vst v8  }
0x61: {  	s10 =	sor.u32 $0x280, s14;
	v27 =	vld.idx.msk [tilespmem:v37+s17+$0x0], $0xffff;
	[tilespmem:s6+$0xC800] =	vst v0;
	v0 =	vmov v36  }
.Ltmp0:
0x62: {  	s6 =	sor.u32 $0x300, s14;
	v9 =	vld.idx.msk [tilespmem:v9+s17+$0x0], $0xffff;
	[tilespmem:s10+$0xC800] =	vst v21;
	(pc) =	sbr.rel @p3 .LBB2_3-.Ltmp0, $4  }
0x63: {  	s10 =	sor.u32 $0x380, s26;
	v8 =	vld.idx.msk [tilespmem:v18+s17+$0x0], $0xffff;
	[tilespmem:s6+$0xC800] =	vst v19;
	s6 =	sor.u32 $0x380, s14  }
0x64: {  	v18 =	vld.idx.msk [tilespmem:v31+s17+$0x0], $0xffff;
	[tilespmem:s6+$0xC800] =	vst v17  }
0x65: {  	p2 =	por !p2, !p2;
	s30 =	sadd.s32 $0x40, s30;
	s6 =	sand.u32 $0x3C00, s28;
	v25 =	vld.idx.msk [tilespmem:v30+s17+$0x0], $0xffff;
	[tilespmem:s10+$0xC800] =	vst v1;
	v1 =	vmov v29  }
0x66: {  	s31 =	sadd.s32 $0x40, s31;
	s28 =	sadd.s32 $0x200, s28;
	s24 =	sadd.s32 $0xC800, s6;
	v26 =	vld.idx.msk [tilespmem:v28+s17+$0x0], $0xffff  }
0x67: {  	_ =	sdelay $0x2  }
0x68: {  	s6 =	sor.u32 s7, s24  }
0x69: {  	v17 =	vld.idx.msk [tilespmem:v22+s17+$0x0], $0xffff;
	s12 =	sor.u32 s20, s24;
	[tilespmem:s6+$0x100] =	vst v27  }
0x6a: {  	v19 =	vld.idx.msk [tilespmem:v20+s17+$0x0], $0xffff;
	[tilespmem:s12+$0x0] =	vst v15  }
0x6b: {  	[tilespmem:s12+$0x80] =	vst v14  }
0x6c: {  	s10 =	sor.u32 s16, s24;
	[tilespmem:s12+$0x100] =	vst v24  }
0x6d: {  	v21 =	vld.idx.msk [tilespmem:v23+s17+$0x0], $0xffff;
	[tilespmem:s10+$0x100] =	vst v16  }
0x6e: {  	[tilespmem:s10+$0x0] =	vst v10  }
0x6f: {  	[tilespmem:s6+$0x180] =	vst v18  }
0x70: {  	s11 =	simm.s32 $0x1;
	[tilespmem:s10+$0x80] =	vst v25  }
0x71: {  	s11 =	simm.s32 @!p1 $0x0;
	[tilespmem:s6+$0x80] =	vst v26  }
0x72: {  	s11 =	sshll.u32 s11, $0x6;
	[tilespmem:s6+$0x0] =	vst v17  }
0x73: {  	s8 =	sadd.s32 s11, s8;
	[tilespmem:s10+$0x180] =	vst v21  }
0x74: {  	s14 =	sor.u32 $0x200, s8;
	s7 =	sadd.s32 $0x30, s8;
	[tilespmem:s12+$0x180] =	vst v19  }
0x75: {  	v20 =	vor.u32 $0x380, v12;
	s20 =	sadd.s32 $0x10, s8;
	s16 =	sor.u32 $0x200, s7;
	[tilespmem:s14+$0xC800] =	vst v13  }
0x76: {  	s22 =	sor.u32 $0x200, s20;
	[tilespmem:s16+$0xC800] =	vst v11  }
0x77: {  	s9 =	sor.u32 s9, s24;
	v15 =	vor.u32 $0x300, v12;
	s24 =	sor.u32 $0x280, s20;
	[tilespmem:s22+$0xC800] =	vst v4  }
0x78: {  	v16 =	vor.u32 $0x100, v12;
	s11 =	sor.u32 $0x280, s7;
	[tilespmem:s24+$0xC800] =	vst v7  }
0x79: {  	v22 =	vor.u32 $0x180, v12;
	s12 =	sor.u32 $0x280, s8;
	[tilespmem:s11+$0xC800] =	vst v3  }
0x7a: {  	v17 =	vor.u32 $0x80, v12;
	v20 =	vld.idx.msk [tilespmem:v20+s17+$0x0], $0xffff;
	s26 =	sor.u32 $0x300, s20;
	[tilespmem:s12+$0xC800] =	vst v9  }
0x7b: {  	v14 =	vor.u32 $0x280, v12;
	v10 =	vor.u32 $0x200, v12;
	v12 =	vld.idx.msk [tilespmem:v12+s17+$0x0], $0xffff;
	s6 =	sor.u32 $0x380, s20;
	s20 =	sor.u32 $0x300, s7;
	[tilespmem:s26+$0xC800] =	vst v5  }
0x7c: {  	v15 =	vld.idx.msk [tilespmem:v15+s17+$0x0], $0xffff;
	s22 =	sor.u32 $0x300, s8;
	[tilespmem:s20+$0xC800] =	vst v2  }
0x7d: {  	v16 =	vld.idx.msk [tilespmem:v16+s17+$0x0], $0xffff;
	[tilespmem:s22+$0xC800] =	vst v8  }
0x7e: {  	s7 =	sor.u32 $0x380, s7;
	v13 =	vld.idx.msk [tilespmem:v22+s17+$0x0], $0xffff;
	[tilespmem:s6+$0xC800] =	vst v6  }
0x7f: {  	s14 =	sadd.s32 $0x20, s8;
	s8 =	sor.u32 $0x380, s8;
	[tilespmem:s7+$0xC800] =	vst v0;
	v17 =	vld.idx.msk [tilespmem:v17+s17+$0x0], $0xffff  }
0x80: {  	v10 =	vld.idx.msk [tilespmem:v10+s17+$0x0], $0xffff;
	[tilespmem:s8+$0xC800] =	vst v1  }
0x81: {  	v14 =	vld.idx.msk [tilespmem:v14+s17+$0x0], $0xffff;
	[tilespmem:s9+$0x0] =	vst v12  }
0x82: {  	[tilespmem:s9+$0x100] =	vst v16  }
0x83: {  	[tilespmem:s9+$0x180] =	vst v13  }
0x84: {  	s16 =	sor.u32 $0x200, s14;
	[tilespmem:s9+$0x80] =	vst v17  }
0x85: {  	s24 =	sor.u32 $0x280, s14;
	[tilespmem:s16+$0xC800] =	vst v10  }
0x86: {  	s26 =	sor.u32 $0x300, s14;
	[tilespmem:s24+$0xC800] =	vst v14  }
0x87: {  	s6 =	sor.u32 $0x380, s14;
	s9 =	sshll.u32 s15, $0x8;
	[tilespmem:s26+$0xC800] =	vst v15  }
0x88: {  	s10 =	simm.s32 $0xC800;
	[tilespmem:s6+$0xC800] =	vst v20;
	s6 =	sadd.s32 s4, s9  }
0x89: {  	[hbm4b:s6+s5] =	stream.linear.scatter [tilespmem:s10], [sflag:$0x4], $0x4000, $0x38;
	[tilespmem:$0x18800] =	vst v63  }
0x8a: {  	s11 =	rddreg [dreg:$0x7]  }
0x8b: {  	s6 =	sadd.s32 s2, s11  }
0x8c: {  	s6 =	sshll.u32 s6, $0xB  }
0x8d: {  	s6 =	sadd.s32 s1, s6  }
0x8e: {  	[tilespmem:s17], [sflag:$0x1] =	stream.linear.gather [hbm4b:s6+s5], $0x4000, $0x38;
	[tilespmem:$0x18800] =	vst v63  }
0x8f: {  	_ =	swait.ge [sflag:s23], $0x4000  }
0x90: {  	[sflag:s23] =	ssyncset.done $0x0  }
0x91: {  	s8 =	simm.s32 $0x0;
	s6 =	simm.s32 @!p0 $0x5;
	[sflag:s23] =	ssyncadd.s32 $0xFFFFC000  }
0x92: {  	s7 =	sand.u32 $0x40, s8;
	_ =	swait.ge @!p0 [sflag:s6], $0x4000  }
0x93: {  	s12 =	sand.u32 $0x780, s8;
	s16 =	sor.u32 $0x10, s7;
	[sflag:s6] =	ssyncset.done @!p0 $0x0  }
0x94: {  	s14 =	sor.u32 s16, s12;
	[sflag:s6] =	ssyncadd.s32 @!p0 $0xFFFFC000  }
0x95: {  	v0 =	vld [tilespmem:s14+$0x0];
	_ =	sdelay $0x1  }
0x96: {  	s20 =	sor.u32 $0x30, s7  }
0x97: {  	s15 =	sor.u32 s20, s12  }
0x98: {  	v1 =	vld [tilespmem:s15+$0x0]  }
0x99: {  	v2 =	vshll.u32 v0, $0x3  }
0x9a: {  	v0 =	vand.u32 $0x7F, v0;
	v2 =	vand.u32 $0xFFFFFC00, v2  }
0x9b: {  	v17 =	vor.u32 v0, v2  }
0x9c: {  	s9 =	sor.u32 $0x20, s7;
	v2 =	vor.u32 $0x200, v17  }
0x9d: {  	s22 =	sor.u32 s9, s12;
	v0 =	vshll.u32 v1, $0x3;
	v3 =	vor.u32 $0x300, v17  }
0x9e: {  	v12 =	vld [tilespmem:s22+$0x0];
	v1 =	vand.u32 $0x7F, v1;
	v0 =	vand.u32 $0xFFFFFC00, v0;
	v6 =	vor.u32 $0x280, v17  }
0x9f: {  	v7 =	vor.u32 $0x100, v17;
	v19 =	vor.u32 v1, v0;
	v1 =	vld [tilespmem:s8+$0x0]  }
0xa0: {  	v22 =	vor.u32 $0x80, v17;
	v10 =	vld.idx.msk [tilespmem:v17+s18+$0x0], $0xffff  }
0xa1: {  	v0 =	vor.u32 $0x80, v19;
	v4 =	vld.idx.msk [tilespmem:v2+s18+$0x0], $0xffff  }
0xa2: {  	v5 =	vld.idx.msk [tilespmem:v3+s18+$0x0], $0xffff  }
0xa3: {  	v18 =	vor.u32 $0x100, v19;
	v8 =	vld.idx.msk [tilespmem:v6+s18+$0x0], $0xffff  }
0xa4: {  	v2 =	vor.u32 $0x380, v19;
	v16 =	vld.idx.msk [tilespmem:v7+s18+$0x0], $0xffff  }
0xa5: {  	v9 =	vor.u32 $0x300, v19;
	v25 =	vld.idx.msk [tilespmem:v22+s18+$0x0], $0xffff  }
0xa6: {  	v3 =	vor.u32 $0x280, v19;
	v14 =	vld.idx.msk [tilespmem:v0+s18+$0x0], $0xffff;
	v0 =	vshll.u32 v1, $0x3  }
0xa7: {  	v6 =	vor.u32 $0x200, v19;
	v15 =	vld.idx.msk [tilespmem:v19+s18+$0x0], $0xffff;
	v1 =	vand.u32 $0x7F, v1;
	v11 =	vand.u32 $0xFFFFFC00, v0  }
0xa8: {  	v13 =	vor.u32 $0x380, v17;
	v24 =	vld.idx.msk [tilespmem:v18+s18+$0x0], $0xffff;
	v23 =	vor.u32 v1, v11  }
0xa9: {  	v0 =	vld.idx.msk [tilespmem:v2+s18+$0x0], $0xffff;
	v1 =	vor.u32 $0x380, v23  }
0xaa: {  	v2 =	vld.idx.msk [tilespmem:v9+s18+$0x0], $0xffff;
	v9 =	vor.u32 $0x100, v23  }
0xab: {  	v3 =	vld.idx.msk [tilespmem:v3+s18+$0x0], $0xffff;
	v20 =	vor.u32 $0x280, v23  }
0xac: {  	v7 =	vor.u32 $0x200, v23;
	v11 =	vld.idx.msk [tilespmem:v6+s18+$0x0], $0xffff  }
0xad: {  	v6 =	vld.idx.msk [tilespmem:v13+s18+$0x0], $0xffff;
	v21 =	vor.u32 $0x300, v23  }
0xae: {  	v18 =	vor.u32 $0x180, v23;
	v1 =	vld.idx.msk [tilespmem:v1+s18+$0x0], $0xffff  }
0xaf: {  	v26 =	vor.u32 $0x80, v23;
	v27 =	vld.idx.msk [tilespmem:v9+s18+$0x0], $0xffff  }
0xb0: {  	v9 =	vld.idx.msk [tilespmem:v20+s18+$0x0], $0xffff;
	v20 =	vshll.u32 v12, $0x3  }
0xb1: {  	p2 =	por $0x0, $0x0;
	s29 =	simm.s32 $0x0;
	v22 =	vor.u32 $0x180, v17;
	v13 =	vld.idx.msk [tilespmem:v7+s18+$0x0], $0xffff;
	v12 =	vand.u32 $0x7F, v12;
	v20 =	vand.u32 $0xFFFFFC00, v20  }
0xb2: {  	s30 =	simm.s32 $0x40;
	s28 =	simm.s32 $0x200;
	s31 =	simm.s32 $0x40;
	v7 =	vld.idx.msk [tilespmem:v21+s18+$0x0], $0xffff;
	v12 =	vor.u32 v12, v20;
	v20 =	vor.u32 $0x180, v19  }
0xb3: {  	p1 =	por p2, p2;
	s26 =	sand.u32 $0x3C00, s8;
	s24 =	rddreg [dreg:$0x8];
	v18 =	vld.idx.msk [tilespmem:v18+s18+$0x0], $0xffff  }
0xb4: {  	p2 =	por !p2, !p2;
	s15 =	sadd.s32 s3, s24;
	s24 =	sadd.s32 $0x10800, s26;
	v26 =	vld.idx.msk [tilespmem:v26+s18+$0x0], $0xffff  }
.LBB2_5:
0xb5: {  	s29 =	sadd.s32 $0x4, s29;
	v19 =	vld.idx.msk [tilespmem:v23+s18+$0x0], $0xffff;
	s22 =	sor.u32 s7, s24;
	s7 =	sand.u32 $0x40, s31  }
0xb6: {  	s11 =	sand.u32 $0x780, s31;
	v17 =	vor.u32 $0x380, v12;
	s10 =	sor.u32 $0x10, s7;
	s12 =	sor.u32 $0x30, s7;
	[tilespmem:s22+$0x100] =	vst v27;
	v22 =	vld.idx.msk [tilespmem:v22+s18+$0x0], $0xffff  }
0xb7: {  	v21 =	vor.u32 $0x300, v12;
	s6 =	sor.u32 s20, s24;
	s14 =	sor.u32 $0x20, s7;
	s26 =	sor.u32 s10, s11;
	v20 =	vld.idx.msk [tilespmem:v20+s18+$0x0], $0xffff  }
0xb8: {  	p3 =	slt.u32 s29, $0x7C;
	v27 =	vor.u32 $0x280, v12;
	s20 =	sor.u32 s14, s11;
	s11 =	sor.u32 s12, s11;
	v23 =	vld [tilespmem:s26+$0x0]  }
0xb9: {  	v29 =	vor.u32 $0x200, v12;
	v28 =	vld [tilespmem:s20+$0x0];
	[tilespmem:s6+$0x0] =	vst v15;
	s20 =	smov.u32 s12  }
0xba: {  	v15 =	vld [tilespmem:s11+$0x0];
	[tilespmem:s6+$0x80] =	vst v14  }
0xbb: {  	v14 =	vor.u32 $0x100, v12;
	v17 =	vld.idx.msk [tilespmem:v17+s18+$0x0], $0xffff;
	[tilespmem:s6+$0x100] =	vst v24  }
0xbc: {  	s11 =	sor.u32 s16, s24;
	s16 =	smov.u32 s10;
	v24 =	vor.u32 $0x80, v12;
	[tilespmem:s22+$0x0] =	vst v19;
	v19 =	vld.idx.msk [tilespmem:v21+s18+$0x0], $0xffff  }
0xbd: {  	v30 =	vshll.u32 v23, $0x3;
	[tilespmem:s11+$0x100] =	vst v16;
	v16 =	vor.u32 $0x180, v12;
	v21 =	vld.idx.msk [tilespmem:v27+s18+$0x0], $0xffff  }
0xbe: {  	v23 =	vand.u32 $0x7F, v23;
	v27 =	vand.u32 $0xFFFFFC00, v30;
	v30 =	vshll.u32 v28, $0x3;
	[tilespmem:s11+$0x0] =	vst v10;
	v29 =	vld.idx.msk [tilespmem:v29+s18+$0x0], $0xffff  }
0xbf: {  	s10 =	simm.s32 $0x1;
	v23 =	vor.u32 v23, v27;
	v10 =	vand.u32 $0x7F, v15;
	v15 =	vshll.u32 v15, $0x3;
	[tilespmem:s22+$0x80] =	vst v26;
	v26 =	vld.idx.msk [tilespmem:v12+s18+$0x0], $0xffff  }
0xc0: {  	s10 =	simm.s32 @!p1 $0x0;
	p1 =	por p2, p2;
	v12 =	vand.u32 $0xFFFFFC00, v30;
	v27 =	vor.u32 $0x200, v23;
	v15 =	vand.u32 $0xFFFFFC00, v15;
	[tilespmem:s11+$0x80] =	vst v25;
	v25 =	vld.idx.msk [tilespmem:v14+s18+$0x0], $0xffff  }
0xc1: {  	s10 =	sshll.u32 s10, $0x6;
	v30 =	vor.u32 $0x80, v23;
	v14 =	vand.u32 $0x7F, v28;
	v28 =	vor.u32 v10, v15;
	[tilespmem:s11+$0x180] =	vst v22;
	v24 =	vld.idx.msk [tilespmem:v24+s18+$0x0], $0xffff  }
0xc2: {  	s26 =	sadd.s32 s10, s8;
	s8 =	smov.u32 s28;
	v32 =	vor.u32 $0x280, v23;
	v33 =	vor.u32 $0x380, v23;
	v31 =	vld [tilespmem:s30+$0x0];
	v34 =	vor.u32 $0x80, v28;
	[tilespmem:s6+$0x180] =	vst v20  }
0xc3: {  	s10 =	sor.u32 $0x200, s26;
	v35 =	vor.u32 $0x300, v23;
	v12 =	vor.u32 v14, v12;
	s11 =	sadd.s32 $0x10, s26;
	v36 =	vor.u32 $0x100, v28;
	s6 =	sadd.s32 $0x30, s26;
	[tilespmem:s22+$0x180] =	vst v18;
	v18 =	vld.idx.msk [tilespmem:v16+s18+$0x0], $0xffff  }
0xc4: {  	v20 =	vor.u32 $0x180, v28;
	s22 =	sadd.s32 $0x20, s26;
	v10 =	vld.idx.msk [tilespmem:v23+s18+$0x0], $0xffff;
	[tilespmem:s10+$0x10800] =	vst v13;
	s10 =	sor.u32 $0x200, s6  }
0xc5: {  	s12 =	sor.u32 s9, s24;
	s9 =	smov.u32 s14;
	v16 =	vor.u32 $0x380, v28;
	v13 =	vor.u32 $0x100, v23;
	v27 =	vld.idx.msk [tilespmem:v27+s18+$0x0], $0xffff;
	[tilespmem:s10+$0x10800] =	vst v11  }
0xc6: {  	v22 =	vor.u32 $0x180, v23;
	v15 =	vld.idx.msk [tilespmem:v28+s18+$0x0], $0xffff;
	[tilespmem:s12+$0x0] =	vst v26  }
0xc7: {  	v26 =	vor.u32 $0x300, v28;
	v11 =	vshll.u32 v31, $0x3;
	v14 =	vld.idx.msk [tilespmem:v34+s18+$0x0], $0xffff;
	[tilespmem:s12+$0x80] =	vst v24  }
0xc8: {  	s10 =	sor.u32 $0x200, s11;
	v23 =	vand.u32 $0x7F, v31;
	v31 =	vor.u32 $0x280, v28;
	v11 =	vand.u32 $0xFFFFFC00, v11;
	v24 =	vld.idx.msk [tilespmem:v35+s18+$0x0], $0xffff;
	[tilespmem:s12+$0x100] =	vst v25  }
0xc9: {  	v23 =	vor.u32 v23, v11;
	v25 =	vld.idx.msk [tilespmem:v32+s18+$0x0], $0xffff;
	v11 =	vor.u32 $0x200, v28;
	[tilespmem:s10+$0x10800] =	vst v4;
	s10 =	sor.u32 $0x280, s11  }
0xca: {  	v28 =	vor.u32 $0x80, v23;
	v32 =	vor.u32 $0x180, v23;
	v34 =	vor.u32 $0x380, v23;
	v35 =	vld.idx.msk [tilespmem:v16+s18+$0x0], $0xffff;
	[tilespmem:s10+$0x10800] =	vst v8;
	s10 =	sor.u32 $0x300, s11  }
0xcb: {  	v37 =	vor.u32 $0x100, v23;
	v38 =	vor.u32 $0x200, v23;
	v4 =	vmov v27;
	v16 =	vld.idx.msk [tilespmem:v13+s18+$0x0], $0xffff;
	[tilespmem:s10+$0x10800] =	vst v5;
	s10 =	sor.u32 $0x380, s11  }
0xcc: {  	v26 =	vld.idx.msk [tilespmem:v26+s18+$0x0], $0xffff;
	[tilespmem:s10+$0x10800] =	vst v6;
	s10 =	sor.u32 $0x280, s6  }
0xcd: {  	s11 =	sor.u32 $0x280, s26;
	[tilespmem:s10+$0x10800] =	vst v3;
	v3 =	vld.idx.msk [tilespmem:v31+s18+$0x0], $0xffff  }
0xce: {  	v5 =	vmov v24;
	v11 =	vld.idx.msk [tilespmem:v11+s18+$0x0], $0xffff;
	[tilespmem:s11+$0x10800] =	vst v9  }
0xcf: {  	s10 =	sor.u32 $0x200, s22;
	v9 =	vor.u32 $0x280, v23;
	v8 =	vmov v25;
	v6 =	vld.idx.msk [tilespmem:v33+s18+$0x0], $0xffff;
	[tilespmem:s12+$0x180] =	vst v18  }
0xd0: {  	v18 =	vor.u32 $0x300, v23;
	v24 =	vld.idx.msk [tilespmem:v36+s18+$0x0], $0xffff;
	[tilespmem:s10+$0x10800] =	vst v29;
	s10 =	sor.u32 $0x300, s6  }
0xd1: {  	s11 =	sor.u32 $0x300, s26;
	v29 =	vld.idx.msk [tilespmem:v34+s18+$0x0], $0xffff;
	[tilespmem:s10+$0x10800] =	vst v2  }
0xd2: {  	s6 =	sor.u32 $0x380, s6;
	v2 =	vmov v26;
	v13 =	vld.idx.msk [tilespmem:v38+s18+$0x0], $0xffff;
	[tilespmem:s11+$0x10800] =	vst v7  }
0xd3: {  	s10 =	sor.u32 $0x280, s22;
	v27 =	vld.idx.msk [tilespmem:v37+s18+$0x0], $0xffff;
	[tilespmem:s6+$0x10800] =	vst v0;
	v0 =	vmov v35  }
.Ltmp1:
0xd4: {  	s6 =	sor.u32 $0x300, s22;
	v9 =	vld.idx.msk [tilespmem:v9+s18+$0x0], $0xffff;
	[tilespmem:s10+$0x10800] =	vst v21;
	(pc) =	sbr.rel @p3 .LBB2_5-.Ltmp1, $4  }
0xd5: {  	s10 =	sor.u32 $0x380, s26;
	v7 =	vld.idx.msk [tilespmem:v18+s18+$0x0], $0xffff;
	[tilespmem:s6+$0x10800] =	vst v19;
	s6 =	sor.u32 $0x380, s22  }
0xd6: {  	v18 =	vld.idx.msk [tilespmem:v32+s18+$0x0], $0xffff;
	[tilespmem:s6+$0x10800] =	vst v17  }
0xd7: {  	p2 =	por !p2, !p2;
	s30 =	sadd.s32 $0x40, s30;
	s6 =	sand.u32 $0x3C00, s28;
	v25 =	vld.idx.msk [tilespmem:v30+s18+$0x0], $0xffff;
	[tilespmem:s10+$0x10800] =	vst v1;
	v1 =	vmov v29  }
0xd8: {  	s31 =	sadd.s32 $0x40, s31;
	s28 =	sadd.s32 $0x200, s28;
	s24 =	sadd.s32 $0x10800, s6;
	v26 =	vld.idx.msk [tilespmem:v28+s18+$0x0], $0xffff  }
0xd9: {  	_ =	sdelay $0x2  }
0xda: {  	s6 =	sor.u32 s7, s24  }
0xdb: {  	v17 =	vld.idx.msk [tilespmem:v23+s18+$0x0], $0xffff;
	s14 =	sor.u32 s20, s24;
	[tilespmem:s6+$0x100] =	vst v27  }
0xdc: {  	v19 =	vld.idx.msk [tilespmem:v20+s18+$0x0], $0xffff;
	[tilespmem:s14+$0x0] =	vst v15  }
0xdd: {  	[tilespmem:s14+$0x80] =	vst v14  }
0xde: {  	s10 =	sor.u32 s16, s24;
	[tilespmem:s14+$0x100] =	vst v24  }
0xdf: {  	v21 =	vld.idx.msk [tilespmem:v22+s18+$0x0], $0xffff;
	[tilespmem:s10+$0x100] =	vst v16  }
0xe0: {  	[tilespmem:s10+$0x0] =	vst v10  }
0xe1: {  	[tilespmem:s6+$0x180] =	vst v18  }
0xe2: {  	s11 =	simm.s32 $0x1;
	[tilespmem:s10+$0x80] =	vst v25  }
0xe3: {  	s11 =	simm.s32 @!p1 $0x0;
	[tilespmem:s6+$0x80] =	vst v26  }
0xe4: {  	s11 =	sshll.u32 s11, $0x6;
	[tilespmem:s6+$0x0] =	vst v17  }
0xe5: {  	s8 =	sadd.s32 s11, s8;
	[tilespmem:s10+$0x180] =	vst v21  }
0xe6: {  	s20 =	sor.u32 $0x200, s8;
	s7 =	sadd.s32 $0x30, s8;
	[tilespmem:s14+$0x180] =	vst v19  }
0xe7: {  	v20 =	vor.u32 $0x380, v12;
	s26 =	sadd.s32 $0x10, s8;
	s22 =	sor.u32 $0x200, s7;
	[tilespmem:s20+$0x10800] =	vst v13  }
0xe8: {  	s31 =	sor.u32 $0x200, s26;
	[tilespmem:s22+$0x10800] =	vst v11  }
0xe9: {  	v15 =	vor.u32 $0x300, v12;
	s11 =	sor.u32 $0x280, s26;
	[tilespmem:s31+$0x10800] =	vst v4  }
0xea: {  	v16 =	vor.u32 $0x100, v12;
	s14 =	sor.u32 $0x280, s7;
	[tilespmem:s11+$0x10800] =	vst v8  }
0xeb: {  	v22 =	vor.u32 $0x180, v12;
	s16 =	sor.u32 $0x280, s8;
	[tilespmem:s14+$0x10800] =	vst v3  }
0xec: {  	v17 =	vor.u32 $0x80, v12;
	v20 =	vld.idx.msk [tilespmem:v20+s18+$0x0], $0xffff;
	s12 =	sor.u32 $0x300, s26;
	[tilespmem:s16+$0x10800] =	vst v9  }
0xed: {  	s9 =	sor.u32 s9, s24;
	v14 =	vor.u32 $0x280, v12;
	v10 =	vor.u32 $0x200, v12;
	v12 =	vld.idx.msk [tilespmem:v12+s18+$0x0], $0xffff;
	s24 =	sor.u32 $0x300, s7;
	[tilespmem:s12+$0x10800] =	vst v5  }
0xee: {  	s6 =	sor.u32 $0x380, s26;
	s26 =	sor.u32 $0x300, s8;
	v15 =	vld.idx.msk [tilespmem:v15+s18+$0x0], $0xffff;
	[tilespmem:s24+$0x10800] =	vst v2  }
0xef: {  	v16 =	vld.idx.msk [tilespmem:v16+s18+$0x0], $0xffff;
	[tilespmem:s26+$0x10800] =	vst v7  }
0xf0: {  	s7 =	sor.u32 $0x380, s7;
	v13 =	vld.idx.msk [tilespmem:v22+s18+$0x0], $0xffff;
	[tilespmem:s6+$0x10800] =	vst v6  }
0xf1: {  	s10 =	sor.u32 $0x380, s8;
	[tilespmem:s7+$0x10800] =	vst v0;
	v17 =	vld.idx.msk [tilespmem:v17+s18+$0x0], $0xffff  }
0xf2: {  	v10 =	vld.idx.msk [tilespmem:v10+s18+$0x0], $0xffff;
	[tilespmem:s10+$0x10800] =	vst v1  }
0xf3: {  	v14 =	vld.idx.msk [tilespmem:v14+s18+$0x0], $0xffff;
	[tilespmem:s9+$0x0] =	vst v12  }
0xf4: {  	[tilespmem:s9+$0x100] =	vst v16  }
0xf5: {  	s20 =	sadd.s32 $0x20, s8;
	[tilespmem:s9+$0x180] =	vst v13  }
0xf6: {  	s22 =	sor.u32 $0x200, s20;
	[tilespmem:s9+$0x80] =	vst v17  }
0xf7: {  	s31 =	sor.u32 $0x280, s20;
	[tilespmem:s22+$0x10800] =	vst v10  }
0xf8: {  	s9 =	sor.u32 $0x300, s20;
	[tilespmem:s31+$0x10800] =	vst v14  }
0xf9: {  	s11 =	sshll.u32 s15, $0x8;
	s6 =	sor.u32 $0x380, s20;
	[tilespmem:s9+$0x10800] =	vst v15  }
0xfa: {  	s12 =	simm.s32 $0x10800;
	[tilespmem:s6+$0x10800] =	vst v20;
	s6 =	sadd.s32 s4, s11  }
0xfb: {  	[hbm4b:s6+s5] =	stream.linear.scatter [tilespmem:s12], [sflag:$0x5], $0x4000, $0x38;
	[tilespmem:$0x18800] =	vst v63  }
0xfc: {  	p1 =	seq.s32 s0, $0x14;
	s6 =	rddreg [dreg:$0x9]  }
0xfd: {  	s6 =	sadd.s32 @!p1 s2, s6  }
0xfe: {  	s6 =	sshll.u32 @!p1 s6, $0xB  }
0xff: {  	s8 =	simm.s32 @!p1 $0x4800;
	s7 =	simm.s32 @!p1 $0x0;
	s6 =	sadd.s32 @!p1 s1, s6  }
0x100: {  	[tilespmem:s8], [sflag:$0x2] =	stream.linear.gather @!p1 [hbm4b:s6+s7], $0x4000, $0x38;
	[tilespmem:$0x18800] =	vst v63  }
0x101: {  	_ =	swait.ge [sflag:s25], $0x4000  }
0x102: {  	[sflag:s25] =	ssyncset.done $0x0  }
0x103: {  	s6 =	simm.s32 @!p0 $0x6;
	s8 =	simm.s32 $0x0;
	[sflag:s25] =	ssyncadd.s32 $0xFFFFC000  }
0x104: {  	s7 =	sand.u32 $0x40, s8;
	_ =	swait.ge @!p0 [sflag:s6], $0x4000  }
0x105: {  	s14 =	sand.u32 $0x780, s8;
	s15 =	sor.u32 $0x10, s7;
	[sflag:s6] =	ssyncset.done @!p0 $0x0  }
0x106: {  	s20 =	sor.u32 s15, s14;
	[sflag:s6] =	ssyncadd.s32 @!p0 $0xFFFFC000  }
0x107: {  	v0 =	vld [tilespmem:s20+$0x0];
	_ =	sdelay $0x1  }
0x108: {  	s16 =	sor.u32 $0x30, s7  }
0x109: {  	s22 =	sor.u32 s16, s14  }
0x10a: {  	v1 =	vld [tilespmem:s22+$0x0]  }
0x10b: {  	v2 =	vshll.u32 v0, $0x3  }
0x10c: {  	v0 =	vand.u32 $0x7F, v0;
	v2 =	vand.u32 $0xFFFFFC00, v2  }
0x10d: {  	v17 =	vor.u32 v0, v2  }
0x10e: {  	s9 =	sor.u32 $0x20, s7;
	v2 =	vor.u32 $0x200, v17  }
0x10f: {  	s24 =	sor.u32 s9, s14;
	v0 =	vshll.u32 v1, $0x3;
	v3 =	vor.u32 $0x300, v17  }
0x110: {  	v12 =	vld [tilespmem:s24+$0x0];
	v1 =	vand.u32 $0x7F, v1;
	v0 =	vand.u32 $0xFFFFFC00, v0;
	v6 =	vor.u32 $0x280, v17  }
0x111: {  	v7 =	vor.u32 $0x100, v17;
	v19 =	vor.u32 v1, v0;
	v1 =	vld [tilespmem:s8+$0x0]  }
0x112: {  	v22 =	vor.u32 $0x80, v17;
	v10 =	vld.idx.msk [tilespmem:v17+s19+$0x0], $0xffff  }
0x113: {  	v0 =	vor.u32 $0x80, v19;
	v4 =	vld.idx.msk [tilespmem:v2+s19+$0x0], $0xffff  }
0x114: {  	v5 =	vld.idx.msk [tilespmem:v3+s19+$0x0], $0xffff  }
0x115: {  	v18 =	vor.u32 $0x100, v19;
	v8 =	vld.idx.msk [tilespmem:v6+s19+$0x0], $0xffff  }
0x116: {  	v2 =	vor.u32 $0x380, v19;
	v16 =	vld.idx.msk [tilespmem:v7+s19+$0x0], $0xffff  }
0x117: {  	v9 =	vor.u32 $0x300, v19;
	v25 =	vld.idx.msk [tilespmem:v22+s19+$0x0], $0xffff  }
0x118: {  	v3 =	vor.u32 $0x280, v19;
	v14 =	vld.idx.msk [tilespmem:v0+s19+$0x0], $0xffff;
	v0 =	vshll.u32 v1, $0x3  }
0x119: {  	v6 =	vor.u32 $0x200, v19;
	v15 =	vld.idx.msk [tilespmem:v19+s19+$0x0], $0xffff;
	v1 =	vand.u32 $0x7F, v1;
	v11 =	vand.u32 $0xFFFFFC00, v0  }
0x11a: {  	v13 =	vor.u32 $0x380, v17;
	v24 =	vld.idx.msk [tilespmem:v18+s19+$0x0], $0xffff;
	v23 =	vor.u32 v1, v11  }
0x11b: {  	v0 =	vld.idx.msk [tilespmem:v2+s19+$0x0], $0xffff;
	v1 =	vor.u32 $0x380, v23  }
0x11c: {  	v2 =	vld.idx.msk [tilespmem:v9+s19+$0x0], $0xffff;
	v9 =	vor.u32 $0x100, v23  }
0x11d: {  	v3 =	vld.idx.msk [tilespmem:v3+s19+$0x0], $0xffff;
	v20 =	vor.u32 $0x280, v23  }
0x11e: {  	v7 =	vor.u32 $0x200, v23;
	v11 =	vld.idx.msk [tilespmem:v6+s19+$0x0], $0xffff  }
0x11f: {  	v6 =	vld.idx.msk [tilespmem:v13+s19+$0x0], $0xffff;
	v21 =	vor.u32 $0x300, v23  }
0x120: {  	v18 =	vor.u32 $0x180, v23;
	v1 =	vld.idx.msk [tilespmem:v1+s19+$0x0], $0xffff  }
0x121: {  	v26 =	vor.u32 $0x80, v23;
	v27 =	vld.idx.msk [tilespmem:v9+s19+$0x0], $0xffff  }
0x122: {  	v9 =	vld.idx.msk [tilespmem:v20+s19+$0x0], $0xffff;
	v20 =	vshll.u32 v12, $0x3  }
0x123: {  	p2 =	por $0x0, $0x0;
	s29 =	simm.s32 $0x40;
	v22 =	vor.u32 $0x180, v17;
	v13 =	vld.idx.msk [tilespmem:v7+s19+$0x0], $0xffff;
	v12 =	vand.u32 $0x7F, v12;
	v20 =	vand.u32 $0xFFFFFC00, v20  }
0x124: {  	s28 =	simm.s32 $0x200;
	s30 =	simm.s32 $0x40;
	s26 =	rddreg [dreg:$0xa];
	v7 =	vld.idx.msk [tilespmem:v21+s19+$0x0], $0xffff;
	v12 =	vor.u32 v12, v20;
	v20 =	vor.u32 $0x180, v19  }
0x125: {  	s31 =	sand.u32 $0x3C00, s8;
	s3 =	sadd.s32 s3, s26;
	p0 =	por p2, p2;
	v18 =	vld.idx.msk [tilespmem:v18+s19+$0x0], $0xffff  }
0x126: {  	p2 =	por !p2, !p2;
	s20 =	simm.s32 $0x0;
	s24 =	sadd.s32 $0x14800, s31;
	v26 =	vld.idx.msk [tilespmem:v26+s19+$0x0], $0xffff  }
.LBB2_7:
0x127: {  	s20 =	sadd.s32 $0x4, s20;
	v19 =	vld.idx.msk [tilespmem:v23+s19+$0x0], $0xffff;
	s22 =	sor.u32 s7, s24;
	s7 =	sand.u32 $0x40, s30  }
0x128: {  	s11 =	sand.u32 $0x780, s30;
	v17 =	vor.u32 $0x380, v12;
	s10 =	sor.u32 $0x10, s7;
	s12 =	sor.u32 $0x30, s7;
	[tilespmem:s22+$0x100] =	vst v27;
	v22 =	vld.idx.msk [tilespmem:v22+s19+$0x0], $0xffff  }
0x129: {  	v21 =	vor.u32 $0x300, v12;
	s6 =	sor.u32 s16, s24;
	s14 =	sor.u32 $0x20, s7;
	s26 =	sor.u32 s10, s11;
	v20 =	vld.idx.msk [tilespmem:v20+s19+$0x0], $0xffff  }
0x12a: {  	p3 =	slt.u32 s20, $0x7C;
	v27 =	vor.u32 $0x280, v12;
	s16 =	sor.u32 s14, s11;
	s11 =	sor.u32 s12, s11;
	v23 =	vld [tilespmem:s26+$0x0]  }
0x12b: {  	v29 =	vor.u32 $0x200, v12;
	v28 =	vld [tilespmem:s16+$0x0];
	[tilespmem:s6+$0x0] =	vst v15;
	s16 =	smov.u32 s12  }
0x12c: {  	v15 =	vld [tilespmem:s11+$0x0];
	[tilespmem:s6+$0x80] =	vst v14  }
0x12d: {  	v14 =	vor.u32 $0x100, v12;
	v17 =	vld.idx.msk [tilespmem:v17+s19+$0x0], $0xffff;
	[tilespmem:s6+$0x100] =	vst v24  }
0x12e: {  	s11 =	sor.u32 s15, s24;
	s15 =	smov.u32 s10;
	v24 =	vor.u32 $0x80, v12;
	[tilespmem:s22+$0x0] =	vst v19;
	v19 =	vld.idx.msk [tilespmem:v21+s19+$0x0], $0xffff  }
0x12f: {  	v30 =	vshll.u32 v23, $0x3;
	[tilespmem:s11+$0x100] =	vst v16;
	v16 =	vor.u32 $0x180, v12;
	v21 =	vld.idx.msk [tilespmem:v27+s19+$0x0], $0xffff  }
0x130: {  	v23 =	vand.u32 $0x7F, v23;
	v27 =	vand.u32 $0xFFFFFC00, v30;
	v30 =	vshll.u32 v28, $0x3;
	[tilespmem:s11+$0x0] =	vst v10;
	v29 =	vld.idx.msk [tilespmem:v29+s19+$0x0], $0xffff  }
0x131: {  	s10 =	simm.s32 $0x1;
	v23 =	vor.u32 v23, v27;
	v10 =	vand.u32 $0x7F, v15;
	v15 =	vshll.u32 v15, $0x3;
	[tilespmem:s22+$0x80] =	vst v26;
	v26 =	vld.idx.msk [tilespmem:v12+s19+$0x0], $0xffff  }
0x132: {  	s10 =	simm.s32 @!p0 $0x0;
	p0 =	por p2, p2;
	v12 =	vand.u32 $0xFFFFFC00, v30;
	v27 =	vor.u32 $0x200, v23;
	v15 =	vand.u32 $0xFFFFFC00, v15;
	[tilespmem:s11+$0x80] =	vst v25;
	v25 =	vld.idx.msk [tilespmem:v14+s19+$0x0], $0xffff  }
0x133: {  	s10 =	sshll.u32 s10, $0x6;
	v30 =	vor.u32 $0x80, v23;
	v14 =	vand.u32 $0x7F, v28;
	v28 =	vor.u32 v10, v15;
	[tilespmem:s11+$0x180] =	vst v22;
	v24 =	vld.idx.msk [tilespmem:v24+s19+$0x0], $0xffff  }
0x134: {  	s26 =	sadd.s32 s10, s8;
	s8 =	smov.u32 s28;
	v32 =	vor.u32 $0x280, v23;
	v33 =	vor.u32 $0x380, v23;
	v31 =	vld [tilespmem:s29+$0x0];
	v34 =	vor.u32 $0x80, v28;
	[tilespmem:s6+$0x180] =	vst v20  }
0x135: {  	s10 =	sor.u32 $0x200, s26;
	v35 =	vor.u32 $0x300, v23;
	v12 =	vor.u32 v14, v12;
	s11 =	sadd.s32 $0x10, s26;
	v36 =	vor.u32 $0x100, v28;
	s6 =	sadd.s32 $0x30, s26;
	[tilespmem:s22+$0x180] =	vst v18;
	v18 =	vld.idx.msk [tilespmem:v16+s19+$0x0], $0xffff  }
0x136: {  	v20 =	vor.u32 $0x180, v28;
	s22 =	sadd.s32 $0x20, s26;
	v10 =	vld.idx.msk [tilespmem:v23+s19+$0x0], $0xffff;
	[tilespmem:s10+$0x14800] =	vst v13;
	s10 =	sor.u32 $0x200, s6  }
0x137: {  	s12 =	sor.u32 s9, s24;
	s9 =	smov.u32 s14;
	v16 =	vor.u32 $0x380, v28;
	v13 =	vor.u32 $0x100, v23;
	v27 =	vld.idx.msk [tilespmem:v27+s19+$0x0], $0xffff;
	[tilespmem:s10+$0x14800] =	vst v11  }
0x138: {  	v22 =	vor.u32 $0x180, v23;
	v15 =	vld.idx.msk [tilespmem:v28+s19+$0x0], $0xffff;
	[tilespmem:s12+$0x0] =	vst v26  }
0x139: {  	v26 =	vor.u32 $0x300, v28;
	v11 =	vshll.u32 v31, $0x3;
	v14 =	vld.idx.msk [tilespmem:v34+s19+$0x0], $0xffff;
	[tilespmem:s12+$0x80] =	vst v24  }
0x13a: {  	s10 =	sor.u32 $0x200, s11;
	v23 =	vand.u32 $0x7F, v31;
	v31 =	vor.u32 $0x280, v28;
	v11 =	vand.u32 $0xFFFFFC00, v11;
	v24 =	vld.idx.msk [tilespmem:v35+s19+$0x0], $0xffff;
	[tilespmem:s12+$0x100] =	vst v25  }
0x13b: {  	v23 =	vor.u32 v23, v11;
	v25 =	vld.idx.msk [tilespmem:v32+s19+$0x0], $0xffff;
	v11 =	vor.u32 $0x200, v28;
	[tilespmem:s10+$0x14800] =	vst v4;
	s10 =	sor.u32 $0x280, s11  }
0x13c: {  	v28 =	vor.u32 $0x80, v23;
	v32 =	vor.u32 $0x180, v23;
	v34 =	vor.u32 $0x380, v23;
	v35 =	vld.idx.msk [tilespmem:v16+s19+$0x0], $0xffff;
	[tilespmem:s10+$0x14800] =	vst v8;
	s10 =	sor.u32 $0x300, s11  }
0x13d: {  	v37 =	vor.u32 $0x100, v23;
	v38 =	vor.u32 $0x200, v23;
	v4 =	vmov v27;
	v16 =	vld.idx.msk [tilespmem:v13+s19+$0x0], $0xffff;
	[tilespmem:s10+$0x14800] =	vst v5;
	s10 =	sor.u32 $0x380, s11  }
0x13e: {  	v26 =	vld.idx.msk [tilespmem:v26+s19+$0x0], $0xffff;
	[tilespmem:s10+$0x14800] =	vst v6;
	s10 =	sor.u32 $0x280, s6  }
0x13f: {  	s11 =	sor.u32 $0x280, s26;
	[tilespmem:s10+$0x14800] =	vst v3;
	v3 =	vld.idx.msk [tilespmem:v31+s19+$0x0], $0xffff  }
0x140: {  	v5 =	vmov v24;
	v11 =	vld.idx.msk [tilespmem:v11+s19+$0x0], $0xffff;
	[tilespmem:s11+$0x14800] =	vst v9  }
0x141: {  	s10 =	sor.u32 $0x200, s22;
	v9 =	vor.u32 $0x280, v23;
	v8 =	vmov v25;
	v6 =	vld.idx.msk [tilespmem:v33+s19+$0x0], $0xffff;
	[tilespmem:s12+$0x180] =	vst v18  }
0x142: {  	v18 =	vor.u32 $0x300, v23;
	v24 =	vld.idx.msk [tilespmem:v36+s19+$0x0], $0xffff;
	[tilespmem:s10+$0x14800] =	vst v29;
	s10 =	sor.u32 $0x300, s6  }
0x143: {  	s11 =	sor.u32 $0x300, s26;
	v29 =	vld.idx.msk [tilespmem:v34+s19+$0x0], $0xffff;
	[tilespmem:s10+$0x14800] =	vst v2  }
0x144: {  	s6 =	sor.u32 $0x380, s6;
	v2 =	vmov v26;
	v13 =	vld.idx.msk [tilespmem:v38+s19+$0x0], $0xffff;
	[tilespmem:s11+$0x14800] =	vst v7  }
0x145: {  	s10 =	sor.u32 $0x280, s22;
	v27 =	vld.idx.msk [tilespmem:v37+s19+$0x0], $0xffff;
	[tilespmem:s6+$0x14800] =	vst v0;
	v0 =	vmov v35  }
.Ltmp2:
0x146: {  	s6 =	sor.u32 $0x300, s22;
	v9 =	vld.idx.msk [tilespmem:v9+s19+$0x0], $0xffff;
	[tilespmem:s10+$0x14800] =	vst v21;
	(pc) =	sbr.rel @p3 .LBB2_7-.Ltmp2, $4  }
0x147: {  	s10 =	sor.u32 $0x380, s26;
	v7 =	vld.idx.msk [tilespmem:v18+s19+$0x0], $0xffff;
	[tilespmem:s6+$0x14800] =	vst v19;
	s6 =	sor.u32 $0x380, s22  }
0x148: {  	v18 =	vld.idx.msk [tilespmem:v32+s19+$0x0], $0xffff;
	[tilespmem:s6+$0x14800] =	vst v17  }
0x149: {  	p2 =	por !p2, !p2;
	s29 =	sadd.s32 $0x40, s29;
	s6 =	sand.u32 $0x3C00, s28;
	v25 =	vld.idx.msk [tilespmem:v30+s19+$0x0], $0xffff;
	[tilespmem:s10+$0x14800] =	vst v1;
	v1 =	vmov v29  }
0x14a: {  	s30 =	sadd.s32 $0x40, s30;
	s28 =	sadd.s32 $0x200, s28;
	s24 =	sadd.s32 $0x14800, s6;
	v26 =	vld.idx.msk [tilespmem:v28+s19+$0x0], $0xffff  }
0x14b: {  	_ =	sdelay $0x2  }
0x14c: {  	s6 =	sor.u32 s7, s24  }
0x14d: {  	v17 =	vld.idx.msk [tilespmem:v23+s19+$0x0], $0xffff;
	s26 =	sor.u32 s16, s24;
	[tilespmem:s6+$0x100] =	vst v27  }
0x14e: {  	v19 =	vld.idx.msk [tilespmem:v20+s19+$0x0], $0xffff;
	v55 =	vor.u32 $0x380, v12;
	[tilespmem:s26+$0x0] =	vst v15  }
0x14f: {  	v56 =	vor.u32 $0x300, v12;
	[tilespmem:s26+$0x80] =	vst v14  }
0x150: {  	v57 =	vor.u32 $0x280, v12;
	s10 =	sor.u32 s15, s24;
	[tilespmem:s26+$0x100] =	vst v24  }
0x151: {  	v21 =	vld.idx.msk [tilespmem:v22+s19+$0x0], $0xffff;
	v58 =	vor.u32 $0x80, v12;
	[tilespmem:s10+$0x100] =	vst v16  }
0x152: {  	v59 =	vor.u32 $0x100, v12;
	v62 =	vld.idx.msk [tilespmem:v12+s19+$0x0], $0xffff;
	[tilespmem:s10+$0x0] =	vst v10  }
0x153: {  	v60 =	vor.u32 $0x200, v12;
	[tilespmem:s6+$0x180] =	vst v18;
	v20 =	vld.idx.msk [tilespmem:v55+s19+$0x0], $0xffff  }
0x154: {  	v61 =	vor.u32 $0x180, v12;
	[tilespmem:s10+$0x80] =	vst v25;
	v15 =	vld.idx.msk [tilespmem:v56+s19+$0x0], $0xffff  }
0x155: {  	s11 =	simm.s32 $0x1;
	[tilespmem:s6+$0x80] =	vst v26;
	v14 =	vld.idx.msk [tilespmem:v57+s19+$0x0], $0xffff  }
0x156: {  	s11 =	simm.s32 @!p0 $0x0;
	[tilespmem:s6+$0x0] =	vst v17;
	v17 =	vld.idx.msk [tilespmem:v58+s19+$0x0], $0xffff  }
0x157: {  	s11 =	sshll.u32 s11, $0x6;
	[tilespmem:s10+$0x180] =	vst v21;
	v16 =	vld.idx.msk [tilespmem:v59+s19+$0x0], $0xffff  }
0x158: {  	s9 =	sor.u32 s9, s24;
	s8 =	sadd.s32 s11, s8;
	[tilespmem:s26+$0x180] =	vst v19;
	v10 =	vld.idx.msk [tilespmem:v60+s19+$0x0], $0xffff  }
0x159: {  	s28 =	sor.u32 $0x200, s8;
	s29 =	sadd.s32 $0x30, s8;
	v63 =	vld.idx.msk [tilespmem:v61+s19+$0x0], $0xffff;
	[tilespmem:s9+$0x0] =	vst v62  }
0x15a: {  	s31 =	sadd.s32 $0x10, s8;
	s30 =	sor.u32 $0x200, s29;
	[tilespmem:s28+$0x14800] =	vst v13  }
0x15b: {  	s11 =	sor.u32 $0x200, s31;
	[tilespmem:s30+$0x14800] =	vst v11  }
0x15c: {  	s12 =	sor.u32 $0x280, s31;
	[tilespmem:s11+$0x14800] =	vst v4  }
0x15d: {  	s15 =	sor.u32 $0x280, s29;
	[tilespmem:s12+$0x14800] =	vst v8  }
0x15e: {  	s16 =	sor.u32 $0x280, s8;
	[tilespmem:s15+$0x14800] =	vst v3  }
0x15f: {  	s14 =	sor.u32 $0x300, s31;
	[tilespmem:s16+$0x14800] =	vst v9  }
0x160: {  	s24 =	sor.u32 $0x300, s29;
	[tilespmem:s14+$0x14800] =	vst v5  }
0x161: {  	s26 =	sor.u32 $0x300, s8;
	[tilespmem:s24+$0x14800] =	vst v2  }
0x162: {  	s6 =	sor.u32 $0x380, s31;
	[tilespmem:s26+$0x14800] =	vst v7  }
0x163: {  	s7 =	sor.u32 $0x380, s29;
	[tilespmem:s6+$0x14800] =	vst v6  }
0x164: {  	s30 =	sor.u32 $0x380, s8;
	[tilespmem:s7+$0x14800] =	vst v0  }
0x165: {  	[tilespmem:s30+$0x14800] =	vst v1  }
0x166: {  	[tilespmem:s9+$0x80] =	vst v17  }
0x167: {  	s20 =	sadd.s32 $0x20, s8;
	[tilespmem:s9+$0x100] =	vst v16  }
0x168: {  	s22 =	sor.u32 $0x200, s20;
	[tilespmem:s9+$0x180] =	vst v63  }
.Ltmp3:
0x169: {  	s28 =	sor.u32 $0x280, s20;
	[tilespmem:s22+$0x14800] =	vst v10;
	(pc) =	sbr.rel @p1 .LBB2_10-.Ltmp3, $4  }
0x16a: {  	s29 =	sor.u32 $0x300, s20;
	[tilespmem:s28+$0x14800] =	vst v14  }
0x16b: {  	s3 =	sshll.u32 s3, $0x8;
	s6 =	sor.u32 $0x380, s20;
	[tilespmem:s29+$0x14800] =	vst v15  }
0x16c: {  	s3 =	sadd.s32 s4, s3;
	s31 =	simm.s32 $0x14800;
	[tilespmem:s6+$0x14800] =	vst v20  }
0x16d: {  	[hbm4b:s3+s5] =	stream.linear.scatter [tilespmem:s31], [sflag:$0x6], $0x4000, $0x38;
	[tilespmem:$0x18800] =	vst v63  }
.Ltmp4:
0x16e: {  	s3 =	rddreg [dreg:$0xb];
	(pc) =	sbr.rel .LBB2_2-.Ltmp4, $4  }
0x16f: {  	s2 =	sadd.s32 s2, s3  }
0x170: {  	s2 =	sshll.u32 s2, $0xB  }
0x171: {  	s0 =	sadd.s32 $0x1, s0;
	s2 =	sadd.s32 s1, s2  }
0x172: {  	[tilespmem:s19], [sflag:$0x3] =	stream.linear.gather [hbm4b:s2+s5], $0x4000, $0x38;
	[tilespmem:$0x18800] =	vst v63  }
.LBB2_10:
0x173: {  	_ =	swait.ge [sflag:s21], $0x4000  }
0x174: {  	[sflag:s21] =	ssyncset.done $0x0  }
0x175: {  	s0 =	simm.s32 $0x0;
	s28 =	simm.s32 $0x4;
	[sflag:s21] =	ssyncadd.s32 $0xFFFFC000  }
0x176: {  	s7 =	sand.u32 $0x40, s0;
	_ =	swait.ge [sflag:s28], $0x4000  }
0x177: {  	s6 =	sand.u32 $0x780, s0;
	s3 =	sor.u32 $0x10, s7;
	[sflag:s28] =	ssyncset.done $0x0  }
0x178: {  	s2 =	sor.u32 s3, s6;
	[sflag:s28] =	ssyncadd.s32 $0xFFFFC000  }
0x179: {  	v0 =	vld [tilespmem:s2+$0x0];
	_ =	sdelay $0x1  }
0x17a: {  	s8 =	sor.u32 $0x30, s7  }
0x17b: {  	s30 =	sor.u32 s8, s6  }
0x17c: {  	v1 =	vld [tilespmem:s30+$0x0]  }
0x17d: {  	v2 =	vshll.u32 v0, $0x3  }
0x17e: {  	v0 =	vand.u32 $0x7F, v0;
	v2 =	vand.u32 $0xFFFFFC00, v2  }
0x17f: {  	v17 =	vor.u32 v0, v2  }
0x180: {  	s2 =	sor.u32 $0x20, s7;
	v2 =	vor.u32 $0x200, v17  }
0x181: {  	s6 =	sor.u32 s2, s6;
	v0 =	vshll.u32 v1, $0x3;
	v3 =	vor.u32 $0x300, v17  }
0x182: {  	v12 =	vld [tilespmem:s6+$0x0];
	v1 =	vand.u32 $0x7F, v1;
	v0 =	vand.u32 $0xFFFFFC00, v0;
	v6 =	vor.u32 $0x280, v17  }
0x183: {  	v7 =	vor.u32 $0x100, v17;
	v19 =	vor.u32 v1, v0;
	v1 =	vld [tilespmem:s0+$0x0]  }
0x184: {  	v22 =	vor.u32 $0x80, v17;
	v10 =	vld.idx.msk [tilespmem:v17+s17+$0x0], $0xffff  }
0x185: {  	v0 =	vor.u32 $0x80, v19;
	v4 =	vld.idx.msk [tilespmem:v2+s17+$0x0], $0xffff  }
0x186: {  	v5 =	vld.idx.msk [tilespmem:v3+s17+$0x0], $0xffff  }
0x187: {  	v18 =	vor.u32 $0x100, v19;
	v8 =	vld.idx.msk [tilespmem:v6+s17+$0x0], $0xffff  }
0x188: {  	v2 =	vor.u32 $0x380, v19;
	v16 =	vld.idx.msk [tilespmem:v7+s17+$0x0], $0xffff  }
0x189: {  	v9 =	vor.u32 $0x300, v19;
	v25 =	vld.idx.msk [tilespmem:v22+s17+$0x0], $0xffff  }
0x18a: {  	v3 =	vor.u32 $0x280, v19;
	v14 =	vld.idx.msk [tilespmem:v0+s17+$0x0], $0xffff;
	v0 =	vshll.u32 v1, $0x3  }
0x18b: {  	v6 =	vor.u32 $0x200, v19;
	v15 =	vld.idx.msk [tilespmem:v19+s17+$0x0], $0xffff;
	v1 =	vand.u32 $0x7F, v1;
	v11 =	vand.u32 $0xFFFFFC00, v0  }
0x18c: {  	v13 =	vor.u32 $0x380, v17;
	v24 =	vld.idx.msk [tilespmem:v18+s17+$0x0], $0xffff;
	v23 =	vor.u32 v1, v11  }
0x18d: {  	v0 =	vld.idx.msk [tilespmem:v2+s17+$0x0], $0xffff;
	v1 =	vor.u32 $0x380, v23  }
0x18e: {  	v2 =	vld.idx.msk [tilespmem:v9+s17+$0x0], $0xffff;
	v9 =	vor.u32 $0x100, v23  }
0x18f: {  	v3 =	vld.idx.msk [tilespmem:v3+s17+$0x0], $0xffff;
	v20 =	vor.u32 $0x280, v23  }
0x190: {  	v7 =	vor.u32 $0x200, v23;
	v11 =	vld.idx.msk [tilespmem:v6+s17+$0x0], $0xffff  }
0x191: {  	v6 =	vld.idx.msk [tilespmem:v13+s17+$0x0], $0xffff;
	v21 =	vor.u32 $0x300, v23  }
0x192: {  	v18 =	vor.u32 $0x180, v23;
	v1 =	vld.idx.msk [tilespmem:v1+s17+$0x0], $0xffff  }
0x193: {  	v26 =	vor.u32 $0x80, v23;
	v27 =	vld.idx.msk [tilespmem:v9+s17+$0x0], $0xffff  }
0x194: {  	v9 =	vld.idx.msk [tilespmem:v20+s17+$0x0], $0xffff;
	v20 =	vshll.u32 v12, $0x3  }
0x195: {  	v22 =	vor.u32 $0x180, v17;
	v13 =	vld.idx.msk [tilespmem:v7+s17+$0x0], $0xffff;
	v12 =	vand.u32 $0x7F, v12;
	v20 =	vand.u32 $0xFFFFFC00, v20  }
0x196: {  	p1 =	por $0x0, $0x0;
	s9 =	simm.s32 $0x0;
	s15 =	simm.s32 $0x40;
	v7 =	vld.idx.msk [tilespmem:v21+s17+$0x0], $0xffff;
	v12 =	vor.u32 v12, v20;
	v20 =	vor.u32 $0x180, v19  }
0x197: {  	s16 =	simm.s32 $0x200;
	s20 =	simm.s32 $0x40;
	s31 =	sand.u32 $0x3C00, s0;
	v18 =	vld.idx.msk [tilespmem:v18+s17+$0x0], $0xffff  }
0x198: {  	p0 =	por p1, p1;
	p1 =	por !p1, !p1;
	s24 =	sadd.s32 $0xC800, s31;
	v26 =	vld.idx.msk [tilespmem:v26+s17+$0x0], $0xffff  }
.LBB2_11:
0x199: {  	s9 =	sadd.s32 $0x4, s9;
	v19 =	vld.idx.msk [tilespmem:v23+s17+$0x0], $0xffff;
	s22 =	sor.u32 s7, s24;
	s7 =	sand.u32 $0x40, s20  }
0x19a: {  	s11 =	sand.u32 $0x780, s20;
	v17 =	vor.u32 $0x380, v12;
	s10 =	sor.u32 $0x10, s7;
	s12 =	sor.u32 $0x30, s7;
	[tilespmem:s22+$0x100] =	vst v27;
	v22 =	vld.idx.msk [tilespmem:v22+s17+$0x0], $0xffff  }
0x19b: {  	v21 =	vor.u32 $0x300, v12;
	s6 =	sor.u32 s8, s24;
	s14 =	sor.u32 $0x20, s7;
	s26 =	sor.u32 s10, s11;
	v20 =	vld.idx.msk [tilespmem:v20+s17+$0x0], $0xffff  }
0x19c: {  	p2 =	slt.u32 s9, $0x7C;
	v27 =	vor.u32 $0x280, v12;
	s8 =	sor.u32 s14, s11;
	s11 =	sor.u32 s12, s11;
	v23 =	vld [tilespmem:s26+$0x0]  }
0x19d: {  	v29 =	vor.u32 $0x200, v12;
	v28 =	vld [tilespmem:s8+$0x0];
	[tilespmem:s6+$0x0] =	vst v15;
	s8 =	smov.u32 s12  }
0x19e: {  	v15 =	vld [tilespmem:s11+$0x0];
	[tilespmem:s6+$0x80] =	vst v14  }
0x19f: {  	v14 =	vor.u32 $0x100, v12;
	v17 =	vld.idx.msk [tilespmem:v17+s17+$0x0], $0xffff;
	[tilespmem:s6+$0x100] =	vst v24  }
0x1a0: {  	s11 =	sor.u32 s3, s24;
	s3 =	smov.u32 s10;
	v24 =	vor.u32 $0x80, v12;
	[tilespmem:s22+$0x0] =	vst v19;
	v19 =	vld.idx.msk [tilespmem:v21+s17+$0x0], $0xffff  }
0x1a1: {  	v30 =	vshll.u32 v23, $0x3;
	[tilespmem:s11+$0x100] =	vst v16;
	v16 =	vor.u32 $0x180, v12;
	v21 =	vld.idx.msk [tilespmem:v27+s17+$0x0], $0xffff  }
0x1a2: {  	v23 =	vand.u32 $0x7F, v23;
	v27 =	vand.u32 $0xFFFFFC00, v30;
	v30 =	vshll.u32 v28, $0x3;
	[tilespmem:s11+$0x0] =	vst v10;
	v29 =	vld.idx.msk [tilespmem:v29+s17+$0x0], $0xffff  }
0x1a3: {  	s10 =	simm.s32 $0x1;
	v23 =	vor.u32 v23, v27;
	v10 =	vand.u32 $0x7F, v15;
	v15 =	vshll.u32 v15, $0x3;
	[tilespmem:s22+$0x80] =	vst v26;
	v26 =	vld.idx.msk [tilespmem:v12+s17+$0x0], $0xffff  }
0x1a4: {  	s10 =	simm.s32 @!p0 $0x0;
	p0 =	por p1, p1;
	v12 =	vand.u32 $0xFFFFFC00, v30;
	v27 =	vor.u32 $0x200, v23;
	v15 =	vand.u32 $0xFFFFFC00, v15;
	[tilespmem:s11+$0x80] =	vst v25;
	v25 =	vld.idx.msk [tilespmem:v14+s17+$0x0], $0xffff  }
0x1a5: {  	s10 =	sshll.u32 s10, $0x6;
	v30 =	vor.u32 $0x80, v23;
	v14 =	vand.u32 $0x7F, v28;
	v28 =	vor.u32 v10, v15;
	[tilespmem:s11+$0x180] =	vst v22;
	v24 =	vld.idx.msk [tilespmem:v24+s17+$0x0], $0xffff  }
0x1a6: {  	s26 =	sadd.s32 s10, s0;
	s0 =	smov.u32 s16;
	v32 =	vor.u32 $0x280, v23;
	v33 =	vor.u32 $0x380, v23;
	v31 =	vld [tilespmem:s15+$0x0];
	v34 =	vor.u32 $0x80, v28;
	[tilespmem:s6+$0x180] =	vst v20  }
0x1a7: {  	s10 =	sor.u32 $0x200, s26;
	v35 =	vor.u32 $0x300, v23;
	v12 =	vor.u32 v14, v12;
	s11 =	sadd.s32 $0x10, s26;
	v36 =	vor.u32 $0x100, v28;
	s6 =	sadd.s32 $0x30, s26;
	[tilespmem:s22+$0x180] =	vst v18;
	v18 =	vld.idx.msk [tilespmem:v16+s17+$0x0], $0xffff  }
0x1a8: {  	v20 =	vor.u32 $0x180, v28;
	s22 =	sadd.s32 $0x20, s26;
	v10 =	vld.idx.msk [tilespmem:v23+s17+$0x0], $0xffff;
	[tilespmem:s10+$0xC800] =	vst v13;
	s10 =	sor.u32 $0x200, s6  }
0x1a9: {  	s12 =	sor.u32 s2, s24;
	s2 =	smov.u32 s14;
	v16 =	vor.u32 $0x380, v28;
	v13 =	vor.u32 $0x100, v23;
	v27 =	vld.idx.msk [tilespmem:v27+s17+$0x0], $0xffff;
	[tilespmem:s10+$0xC800] =	vst v11  }
0x1aa: {  	v22 =	vor.u32 $0x180, v23;
	v15 =	vld.idx.msk [tilespmem:v28+s17+$0x0], $0xffff;
	[tilespmem:s12+$0x0] =	vst v26  }
0x1ab: {  	v26 =	vor.u32 $0x300, v28;
	v11 =	vshll.u32 v31, $0x3;
	v14 =	vld.idx.msk [tilespmem:v34+s17+$0x0], $0xffff;
	[tilespmem:s12+$0x80] =	vst v24  }
0x1ac: {  	s10 =	sor.u32 $0x200, s11;
	v23 =	vand.u32 $0x7F, v31;
	v31 =	vor.u32 $0x280, v28;
	v11 =	vand.u32 $0xFFFFFC00, v11;
	v24 =	vld.idx.msk [tilespmem:v35+s17+$0x0], $0xffff;
	[tilespmem:s12+$0x100] =	vst v25  }
0x1ad: {  	v23 =	vor.u32 v23, v11;
	v25 =	vld.idx.msk [tilespmem:v32+s17+$0x0], $0xffff;
	v11 =	vor.u32 $0x200, v28;
	[tilespmem:s10+$0xC800] =	vst v4;
	s10 =	sor.u32 $0x280, s11  }
0x1ae: {  	v28 =	vor.u32 $0x80, v23;
	v32 =	vor.u32 $0x180, v23;
	v34 =	vor.u32 $0x380, v23;
	v35 =	vld.idx.msk [tilespmem:v16+s17+$0x0], $0xffff;
	[tilespmem:s10+$0xC800] =	vst v8;
	s10 =	sor.u32 $0x300, s11  }
0x1af: {  	v37 =	vor.u32 $0x100, v23;
	v38 =	vor.u32 $0x200, v23;
	v4 =	vmov v27;
	v16 =	vld.idx.msk [tilespmem:v13+s17+$0x0], $0xffff;
	[tilespmem:s10+$0xC800] =	vst v5;
	s10 =	sor.u32 $0x380, s11  }
0x1b0: {  	v26 =	vld.idx.msk [tilespmem:v26+s17+$0x0], $0xffff;
	[tilespmem:s10+$0xC800] =	vst v6;
	s10 =	sor.u32 $0x280, s6  }
0x1b1: {  	s11 =	sor.u32 $0x280, s26;
	[tilespmem:s10+$0xC800] =	vst v3;
	v3 =	vld.idx.msk [tilespmem:v31+s17+$0x0], $0xffff  }
0x1b2: {  	v5 =	vmov v24;
	v11 =	vld.idx.msk [tilespmem:v11+s17+$0x0], $0xffff;
	[tilespmem:s11+$0xC800] =	vst v9  }
0x1b3: {  	s10 =	sor.u32 $0x200, s22;
	v9 =	vor.u32 $0x280, v23;
	v8 =	vmov v25;
	v6 =	vld.idx.msk [tilespmem:v33+s17+$0x0], $0xffff;
	[tilespmem:s12+$0x180] =	vst v18  }
0x1b4: {  	v18 =	vor.u32 $0x300, v23;
	v24 =	vld.idx.msk [tilespmem:v36+s17+$0x0], $0xffff;
	[tilespmem:s10+$0xC800] =	vst v29;
	s10 =	sor.u32 $0x300, s6  }
0x1b5: {  	s11 =	sor.u32 $0x300, s26;
	v29 =	vld.idx.msk [tilespmem:v34+s17+$0x0], $0xffff;
	[tilespmem:s10+$0xC800] =	vst v2  }
0x1b6: {  	s6 =	sor.u32 $0x380, s6;
	v2 =	vmov v26;
	v13 =	vld.idx.msk [tilespmem:v38+s17+$0x0], $0xffff;
	[tilespmem:s11+$0xC800] =	vst v7  }
0x1b7: {  	s10 =	sor.u32 $0x280, s22;
	v27 =	vld.idx.msk [tilespmem:v37+s17+$0x0], $0xffff;
	[tilespmem:s6+$0xC800] =	vst v0;
	v0 =	vmov v35  }
.Ltmp5:
0x1b8: {  	s6 =	sor.u32 $0x300, s22;
	v9 =	vld.idx.msk [tilespmem:v9+s17+$0x0], $0xffff;
	[tilespmem:s10+$0xC800] =	vst v21;
	(pc) =	sbr.rel @p2 .LBB2_11-.Ltmp5, $4  }
0x1b9: {  	s10 =	sor.u32 $0x380, s26;
	v7 =	vld.idx.msk [tilespmem:v18+s17+$0x0], $0xffff;
	[tilespmem:s6+$0xC800] =	vst v19;
	s6 =	sor.u32 $0x380, s22  }
0x1ba: {  	v18 =	vld.idx.msk [tilespmem:v32+s17+$0x0], $0xffff;
	[tilespmem:s6+$0xC800] =	vst v17  }
0x1bb: {  	p1 =	por !p1, !p1;
	s15 =	sadd.s32 $0x40, s15;
	s6 =	sand.u32 $0x3C00, s16;
	v25 =	vld.idx.msk [tilespmem:v30+s17+$0x0], $0xffff;
	[tilespmem:s10+$0xC800] =	vst v1;
	v1 =	vmov v29  }
0x1bc: {  	s20 =	sadd.s32 $0x40, s20;
	s16 =	sadd.s32 $0x200, s16;
	s24 =	sadd.s32 $0xC800, s6;
	v26 =	vld.idx.msk [tilespmem:v28+s17+$0x0], $0xffff  }
0x1bd: {  	_ =	sdelay $0x2  }
0x1be: {  	s6 =	sor.u32 s7, s24  }
0x1bf: {  	v17 =	vld.idx.msk [tilespmem:v23+s17+$0x0], $0xffff;
	s15 =	sor.u32 s8, s24;
	[tilespmem:s6+$0x100] =	vst v27  }
0x1c0: {  	v19 =	vld.idx.msk [tilespmem:v20+s17+$0x0], $0xffff;
	v55 =	vor.u32 $0x380, v12;
	[tilespmem:s15+$0x0] =	vst v15  }
0x1c1: {  	v56 =	vor.u32 $0x300, v12;
	[tilespmem:s15+$0x80] =	vst v14  }
0x1c2: {  	v57 =	vor.u32 $0x280, v12;
	s3 =	sor.u32 s3, s24;
	[tilespmem:s15+$0x100] =	vst v24  }
0x1c3: {  	v21 =	vld.idx.msk [tilespmem:v22+s17+$0x0], $0xffff;
	v58 =	vor.u32 $0x80, v12;
	[tilespmem:s3+$0x100] =	vst v16  }
0x1c4: {  	v59 =	vor.u32 $0x100, v12;
	v62 =	vld.idx.msk [tilespmem:v12+s17+$0x0], $0xffff;
	[tilespmem:s3+$0x0] =	vst v10  }
0x1c5: {  	v60 =	vor.u32 $0x200, v12;
	[tilespmem:s6+$0x180] =	vst v18;
	v20 =	vld.idx.msk [tilespmem:v55+s17+$0x0], $0xffff  }
0x1c6: {  	v61 =	vor.u32 $0x180, v12;
	[tilespmem:s3+$0x80] =	vst v25;
	v15 =	vld.idx.msk [tilespmem:v56+s17+$0x0], $0xffff  }
0x1c7: {  	s8 =	simm.s32 $0x1;
	[tilespmem:s6+$0x80] =	vst v26;
	v14 =	vld.idx.msk [tilespmem:v57+s17+$0x0], $0xffff  }
0x1c8: {  	s8 =	simm.s32 @!p0 $0x0;
	[tilespmem:s6+$0x0] =	vst v17;
	v17 =	vld.idx.msk [tilespmem:v58+s17+$0x0], $0xffff  }
0x1c9: {  	s8 =	sshll.u32 s8, $0x6;
	[tilespmem:s3+$0x180] =	vst v21;
	v16 =	vld.idx.msk [tilespmem:v59+s17+$0x0], $0xffff  }
0x1ca: {  	s2 =	sor.u32 s2, s24;
	s0 =	sadd.s32 s8, s0;
	[tilespmem:s15+$0x180] =	vst v19;
	v10 =	vld.idx.msk [tilespmem:v60+s17+$0x0], $0xffff  }
0x1cb: {  	s16 =	sor.u32 $0x200, s0;
	s20 =	sadd.s32 $0x30, s0;
	v63 =	vld.idx.msk [tilespmem:v61+s17+$0x0], $0xffff;
	[tilespmem:s2+$0x0] =	vst v62  }
0x1cc: {  	s26 =	sadd.s32 $0x10, s0;
	s22 =	sor.u32 $0x200, s20;
	[tilespmem:s16+$0xC800] =	vst v13  }
0x1cd: {  	s29 =	sor.u32 $0x200, s26;
	[tilespmem:s22+$0xC800] =	vst v11  }
0x1ce: {  	s30 =	sor.u32 $0x280, s26;
	[tilespmem:s29+$0xC800] =	vst v4  }
0x1cf: {  	s8 =	sor.u32 $0x280, s20;
	[tilespmem:s30+$0xC800] =	vst v8  }
0x1d0: {  	s9 =	sor.u32 $0x280, s0;
	[tilespmem:s8+$0xC800] =	vst v3  }
0x1d1: {  	s31 =	sor.u32 $0x300, s26;
	[tilespmem:s9+$0xC800] =	vst v9  }
0x1d2: {  	s12 =	sor.u32 $0x300, s20;
	[tilespmem:s31+$0xC800] =	vst v5  }
0x1d3: {  	s14 =	sor.u32 $0x300, s0;
	[tilespmem:s12+$0xC800] =	vst v2  }
0x1d4: {  	s3 =	sor.u32 $0x380, s26;
	[tilespmem:s14+$0xC800] =	vst v7  }
0x1d5: {  	s15 =	sor.u32 $0x380, s20;
	[tilespmem:s3+$0xC800] =	vst v6  }
0x1d6: {  	s10 =	sadd.s32 $0x20, s0;
	s0 =	sor.u32 $0x380, s0;
	[tilespmem:s15+$0xC800] =	vst v0  }
0x1d7: {  	[tilespmem:s0+$0xC800] =	vst v1  }
0x1d8: {  	[tilespmem:s2+$0x80] =	vst v17  }
0x1d9: {  	[tilespmem:s2+$0x100] =	vst v16  }
0x1da: {  	s11 =	sor.u32 $0x200, s10;
	[tilespmem:s2+$0x180] =	vst v63  }
0x1db: {  	s16 =	sor.u32 $0x280, s10;
	[tilespmem:s11+$0xC800] =	vst v10  }
0x1dc: {  	s20 =	sor.u32 $0x300, s10;
	[tilespmem:s16+$0xC800] =	vst v14  }
0x1dd: {  	s22 =	sor.u32 $0x380, s10;
	[tilespmem:s20+$0xC800] =	vst v15  }
0x1de: {  	[tilespmem:s22+$0xC800] =	vst v20  }
0x1df: {  	s24 =	simm.s32 $0xC800;
	s26 =	simm.s32 $0x5;
	s0 =	rddreg [dreg:$0xc]  }
0x1e0: {  	[hbm4b:s0+s5] =	stream.linear.scatter [tilespmem:s24], [sflag:$0x4], $0x4000, $0x38;
	[tilespmem:$0x18800] =	vst v63  }
0x1e1: {  	_ =	swait.ge [sflag:s26], $0x4000  }
0x1e2: {  	[sflag:s26] =	ssyncset.done $0x0  }
0x1e3: {  	s29 =	simm.s32 $0x6;
	[sflag:s26] =	ssyncadd.s32 $0xFFFFC000  }
0x1e4: {  	_ =	swait.ge [sflag:s29], $0x4000  }
0x1e5: {  	[sflag:s29] =	ssyncset.done $0x0  }
0x1e6: {  	[sflag:s29] =	ssyncadd.s32 $0xFFFFC000  }
0x1e7: {  	_ =	swait.ge [sflag:s28], $0x4000  }
0x1e8: {  	s30 =	rddreg [dreg:$0xe]  }
0x1e9: {  	s31 =	rddreg [dreg:$0xd];
	s2 =	sadd.s32 $0x1, s30  }
0x1ea: {  	p0 =	sne.s32 s2, s31  }
.Ltmp6:
0x1eb: {  	_ = 	snop;
	(pc) =	sbr.rel @p0 .LBB2_1-.Ltmp6, $3  }
0x1ec: {  	_ =	sdelay $0x1  }
0x1ed: {  	[sflag:s28] =	ssyncset.done $0x0  }
0x1ee: {  	[sflag:s28] =	ssyncadd.s32 $0xFFFFC000  }
0x1ef: {  	_ =	sfence.sel $0x180000  }
0x1f0: {  	[bflag:$0x0] =	sbarrier.arrive $0xFFFF  }
0x1f1: {  	_ =	strace $0x90000047  }
0x1f2: {  	s0 =	stileid.u32;
	[bflag:$0x2] =	sbarrier.arrive $0xFFFF  }
0x1f3: {  	p0 =	sne.s32 s0, $0x0;
	s0 =	rddreg [dreg:$0x3]  }
0x1f4: {  	s0 =	sadd.s32 @!p0 $0x100000, s0  }
0x1f5: {  	[sflag:s0] =	ssyncadd.tile.s32 @!p0 $0x1;
	_ =	shalt  }
.Lfunc_end2:
_tile_overlayer_lowered:
.L_overlay_start_2:
0x1f6: {  	(tag) =	ssettag $0x2  }
0x1f7: {  	s0 =	rddreg [dreg:$0x0];
	s2 =	stileid.u32  }
0x1f8: {  	s1 =	rddreg [dreg:$0x1];
	p0 =	sne.s32 s2, $0x0  }
0x1f9: {  	s3 =	rddreg [dreg:$0x2];
	[bflag:$0x3] =	sbarrier.arrive $0xFFFF;
	s2 =	simm.s32 @!p0 $0x1C07  }
0x1fa: {  	[timem:s3], [sflag:s2] =	dma.local @!p0 [hbm:s0], s1  }
0x1fb: {  	s0 =	simm.s32 @!p0 $0x7  }
0x1fc: {  	_ =	swait.ge @!p0 [sflag:s0], s1  }
0x1fd: {  	s1 =	ssub.s32 @!p0 $0x0, s1;
	[sflag:s0] =	ssyncset.done @!p0 $0x0  }
0x1fe: {  	[sflag:s0] =	ssyncadd.s32 @!p0 s1  }
0x1ff: {  	[bflag:$0x3] =	sbarrier.arrive $0xFFFF  }
0x200: {  	_ =	shalt  }

</sc_bundles>
